<compile_context>
chip_gen: v7x
topology: tpu7x:2x2x1
jax: 0.10.2.dev20260603
libtpu: 0.0.44.dev20260713+nightly
codegen_flags: <defaults>
</compile_context>

<pallas_src>
import dataclasses
import functools

import jax
import jax.numpy as jnp
import numpy as np
from jax.experimental import pallas as pl
from jax.experimental.pallas import tpu as pltpu
from jax.experimental.pallas import tpu_sc as plsc

_L = 2048
_N1 = 2 * _L - 1
_N2 = 2 * _L - 2
_B = 2
_H = 12
_D = 64
_BH = _B * _H
_TOPK = 40
_KB = 256
def _split3_np(x):
    import ml_dtypes
    bf = ml_dtypes.bfloat16
    x0 = x.astype(bf)
    r = x.astype(np.float32) - x0.astype(np.float32)
    x1 = r.astype(bf)
    x2 = (r - x1.astype(np.float32)).astype(bf)
    return x0, x1, x2


def _dft_constants():
    t = np.arange(_L, dtype=np.int64)
    outer = np.outer(t, t)
    ang1 = (outer % _N1).astype(np.float64) * (2.0 * np.pi / _N1)
    ang2 = (outer % _N2).astype(np.float64) * (2.0 * np.pi / _N2)
    cf = np.cos(ang1).astype(np.float32)
    sf = np.sin(ang1).astype(np.float32)
    ci = np.cos(ang2).astype(np.float32)
    si = np.sin(ang2).astype(np.float32)
    nb = _L // _KB
    cfs = np.stack([np.hstack([cf[:, i * _KB:(i + 1) * _KB],
                               sf[:, i * _KB:(i + 1) * _KB]])
                    for i in range(nb)])
    cis = np.stack([np.vstack([ci[i * _KB:(i + 1) * _KB],
                               si[i * _KB:(i + 1) * _KB]])
                    for i in range(nb)])
    return _split3_np(cfs), _split3_np(cis)


_CFS3, _CIS3 = _dft_constants()


def _split3(x):
    x0 = x.astype(jnp.bfloat16)
    r = x - x0.astype(jnp.float32)
    x1 = r.astype(jnp.bfloat16)
    x2 = (r - x1.astype(jnp.float32)).astype(jnp.bfloat16)
    return x0, x1, x2


def _dot_x6(a3, b3):
    d = functools.partial(jnp.dot, preferred_element_type=jnp.float32)
    a0, a1, a2 = a3
    b0, b1, b2 = b3
    s = d(a0, b2) + d(a1, b1) + d(a2, b0)
    s = s + (d(a0, b1) + d(a1, b0))
    return s + d(a0, b0)


def _proj_body(q_ref, k_ref, v_ref, w_ref, b_ref, o_ref):
    d = functools.partial(jnp.dot, preferred_element_type=jnp.float32)
    w = w_ref[...]
    b = b_ref[...]
    xq = q_ref[0].astype(jnp.bfloat16)
    xk = k_ref[0].astype(jnp.bfloat16)
    xv = v_ref[0].astype(jnp.bfloat16)
    o_ref[0, :, 0:_H] = d(xq, w[:, 0:_H]) + b[:, 0:_H]
    o_ref[0, :, _H:2 * _H] = d(xk, w[:, _H:2 * _H]) + b[:, _H:2 * _H]
    o_ref[0, :, 2 * _H:3 * _H] = d(xv, w[:, 2 * _H:3 * _H]) + b[:, 2 * _H:3 * _H]


def _score_body(qk_ref, cfs0_ref, cfs1_ref, cfs2_ref, cis0_ref, cis1_ref,
                cis2_ref, wn_ref, idx_ref, acc_ref):
    i = pl.program_id(0)

    @pl.when(i == 0)
    def _():
        acc_ref[...] = jnp.zeros_like(acc_ref)

    qk3 = _split3(qk_ref[...])
    reim = _dot_x6(qk3, (cfs0_ref[0], cfs1_ref[0], cfs2_ref[0]))
    re = reim[:, :_KB]
    im = -reim[:, _KB:]
    qr, kr = re[:_BH], re[_BH:]
    qi, ki = im[:_BH], im[_BH:]
    sr = qr * kr + qi * ki
    si = qi * kr - qr * ki
    gcol = i * _KB + jax.lax.broadcasted_iota(jnp.int32, (_BH, _KB), 1)
    cr = jnp.where((gcol == 0) | (gcol == _L - 1), 1.0, 2.0)
    cim = jnp.where(gcol == _L - 1, 0.0, cr)
    a2 = jnp.concatenate([sr * cr, -(si * cim)], axis=1)
    acc_ref[...] += _dot_x6(_split3(a2),
                            (cis0_ref[0], cis1_ref[0], cis2_ref[0]))

    @pl.when(i == pl.num_programs(0) - 1)
    def _():
        score = acc_ref[...] * (1.0 / (float(_N2) * float(_L)))
        iota = jax.lax.broadcasted_iota(jnp.int32, (_BH, _L), 1)
        vals = []
        idxs = []
        for _d in range(_TOPK):
            m = jnp.max(score, axis=1, keepdims=True)
            hit = score == m
            idx = jnp.min(jnp.where(hit, iota, _L), axis=1, keepdims=True)
            vals.append(m)
            idxs.append(idx)
            score = jnp.where(iota == idx, -jnp.inf, score)
        w = jnp.concatenate(vals, axis=1)
        e = jnp.exp(w - w[:, 0:1])
        wn = e / jnp.sum(e, axis=1, keepdims=True)
        pad = jnp.zeros((_BH, 64 - _TOPK), jnp.float32)
        wn_ref[...] = jnp.concatenate([wn, pad], axis=1)
        idx_ref[...] = jnp.concatenate(idxs + [pad.astype(jnp.int32)], axis=1)


_TC_ROWS = 16


def _tc_combine_body(i_smem, w_smem, vs_ref, out_ref):
    row = pl.program_id(0)
    vrow = vs_ref[pl.ds(row, 1), :]
    acc = jnp.zeros((1, _L), jnp.float32)
    for d in range(_TOPK):
        st = i_smem[row * 64 + d]
        w = w_smem[row * 64 + d]
        acc = acc + pltpu.roll(vrow, -st, axis=1) * w
    out_ref[0] = acc


def _sc_combine_body(vs_hbm, idx_hbm, wn_hbm, out_hbm,
                     buf_v, acc_v, idx_v, wn_v, sem):
    wid = jax.lax.axis_index("s") * 2 + jax.lax.axis_index("c")

    @pl.when(wid < _BH - _TC_ROWS)
    def _():
        row = wid + _TC_ROWS
        c1 = pltpu.async_copy(vs_hbm.at[row], buf_v.at[pl.ds(0, _L)], sem)
        c2 = pltpu.async_copy(vs_hbm.at[row], buf_v.at[pl.ds(_L, _L)], sem)
        c3 = pltpu.async_copy(idx_hbm.at[row], idx_v, sem)
        c4 = pltpu.async_copy(wn_hbm.at[row], wn_v, sem)
        c1.wait()
        c2.wait()
        c3.wait()
        c4.wait()

        lane = jax.lax.iota(jnp.int32, 16)

        @pl.loop(0, _L // 16)
        def _zero(i):
            plsc.store_scatter(acc_v, [i * 16 + lane],
                               jnp.zeros((16,), jnp.float32))

        @pl.loop(0, _TOPK)
        def _lag(d):
            dsplat = jnp.full((16,), d, jnp.int32)
            st = plsc.load_gather(idx_v, [dsplat])
            w = plsc.load_gather(wn_v, [dsplat])

            @pl.loop(0, _L // 16)
            def _chunk(i):
                base = i * 16 + lane
                vals = plsc.load_gather(buf_v, [st + base])
                plsc.addupdate_scatter(acc_v, [base], w * vals)

        pltpu.async_copy(acc_v, out_hbm.at[wid], sem).wait()


@jax.jit
def kernel(queries, keys, values, Wq, bq, Wk, bk, Wv, bv):
    from jax.scipy.linalg import block_diag
    qf = queries.reshape(_B, _L, _H * _D)
    kf = keys.reshape(_B, _L, _H * _D)
    vf = values.reshape(_B, _L, _H * _D)
    wb = jnp.concatenate(
        [block_diag(*([w[0][:, None]] * _H)) for w in (Wq, Wk, Wv)],
        axis=1).astype(jnp.bfloat16)
    bb = jnp.concatenate([jnp.repeat(b, _H) for b in (bq, bk, bv)])[None, :]

    sig = pl.pallas_call(
        _proj_body,
        grid=(_B,),
        in_specs=[
            pl.BlockSpec((1, _L, _H * _D), lambda i: (i, 0, 0)),
            pl.BlockSpec((1, _L, _H * _D), lambda i: (i, 0, 0)),
            pl.BlockSpec((1, _L, _H * _D), lambda i: (i, 0, 0)),
            pl.BlockSpec((_H * _D, 3 * _H), lambda i: (0, 0)),
            pl.BlockSpec((1, 3 * _H), lambda i: (0, 0)),
        ],
        out_specs=pl.BlockSpec((1, _L, 3 * _H), lambda i: (i, 0, 0)),
        out_shape=jax.ShapeDtypeStruct((_B, _L, 3 * _H), jnp.float32),
    )(qf, kf, vf, wb, bb)
    s = sig.transpose(0, 2, 1)
    qk = jnp.concatenate([s[:, 0:_H].reshape(_BH, _L),
                          s[:, _H:2 * _H].reshape(_BH, _L)], axis=0)
    vs = s[:, 2 * _H:3 * _H].reshape(_BH, _L)

    nsteps = _L // _KB
    fwd_spec = pl.BlockSpec((1, _L, 2 * _KB), lambda i: (i, 0, 0))
    inv_spec = pl.BlockSpec((1, 2 * _KB, _L), lambda i: (i, 0, 0))
    wn, idx = pl.pallas_call(
        _score_body,
        grid=(nsteps,),
        in_specs=[
            pl.BlockSpec((2 * _BH, _L), lambda i: (0, 0)),
            fwd_spec, fwd_spec, fwd_spec,
            inv_spec, inv_spec, inv_spec,
        ],
        out_specs=[
            pl.BlockSpec((_BH, 64), lambda i: (0, 0)),
            pl.BlockSpec((_BH, 64), lambda i: (0, 0)),
        ],
        out_shape=[
            jax.ShapeDtypeStruct((_BH, 64), jnp.float32),
            jax.ShapeDtypeStruct((_BH, 64), jnp.int32),
        ],
        scratch_shapes=[pltpu.VMEM((_BH, _L), jnp.float32)],
        compiler_params=pltpu.CompilerParams(
            dimension_semantics=("arbitrary",)),
    )(qk, *(jnp.asarray(c) for c in _CFS3),
      *(jnp.asarray(c) for c in _CIS3))

    cp = pltpu.CompilerParams()
    if "needs_layout_passes" in pltpu.CompilerParams.__dataclass_fields__:
        cp = dataclasses.replace(cp, needs_layout_passes=False)
    sc_combine = pl.kernel(
        _sc_combine_body,
        mesh=plsc.VectorSubcoreMesh(core_axis_name="c", subcore_axis_name="s"),
        out_type=jax.ShapeDtypeStruct((_BH - _TC_ROWS, _L), jnp.float32),
        scratch_types=[
            pltpu.VMEM((2 * _L,), jnp.float32),
            pltpu.VMEM((_L,), jnp.float32),
            pltpu.VMEM((64,), jnp.int32),
            pltpu.VMEM((64,), jnp.float32),
            pltpu.SemaphoreType.DMA,
        ],
        compiler_params=cp,
    )
    out_sc = sc_combine(vs, idx, wn)
    out_tc = pl.pallas_call(
        _tc_combine_body,
        grid_spec=pltpu.PrefetchScalarGridSpec(
            num_scalar_prefetch=2,
            grid=(_TC_ROWS,),
            in_specs=[pl.BlockSpec((_BH, _L), lambda i, *_: (0, 0))],
            out_specs=pl.BlockSpec((1, 1, _L), lambda i, *_: (i, 0, 0)),
        ),
        out_shape=jax.ShapeDtypeStruct((_TC_ROWS, 1, _L), jnp.float32),
    )(idx.reshape(-1), wn.reshape(-1), vs)
    out24 = jnp.concatenate([out_tc.reshape(_TC_ROWS, _L), out_sc], axis=0)

    return out24.reshape(_B, _H, _L)[..., None]

# --- scband reference (transcript-rebuilt; emitter-appended) ---
"""Pipeline reference for scband-auto-correlation-layer-377957122232 (READ-ONLY COPY).

The authoritative reference and input builder live on the scoring server;
editing this copy changes nothing except your own understanding.
"""

import jax, jax.numpy as jnp
import numpy as np

FACTOR = 5

def setup_inputs(seed: int = 0) -> dict:
    key = jax.random.key(seed)
    ks = jax.random.split(key, 9)
    B, L, H, D = 2, 2048, 12, 64
    queries = jax.random.normal(ks[0], (B, L, H, D), dtype=jnp.float32)
    keys = jax.random.normal(ks[1], (B, L, H, D), dtype=jnp.float32)
    values = jax.random.normal(ks[2], (B, L, H, D), dtype=jnp.float32)
    # LazyLinear(1) params: weight [1, D], bias [1]
    Wq = jax.random.normal(ks[3], (1, D), dtype=jnp.float32) * 0.1
    bq = jax.random.normal(ks[4], (1,), dtype=jnp.float32) * 0.1
    Wk = jax.random.normal(ks[5], (1, D), dtype=jnp.float32) * 0.1
    bk = jax.random.normal(ks[6], (1,), dtype=jnp.float32) * 0.1
    Wv = jax.random.normal(ks[7], (1, D), dtype=jnp.float32) * 0.1
    bv = jax.random.normal(ks[8], (1,), dtype=jnp.float32) * 0.1
    return {"queries": queries, "keys": keys, "values": values,
            "Wq": Wq, "bq": bq, "Wk": Wk, "bk": bk, "Wv": Wv, "bv": bv}

def reference(queries, keys, values, Wq, bq, Wk, bk, Wv, bv):
    B, L_Q, H, n_dim = queries.shape
    L_K = keys.shape[1]
    q = jnp.transpose(queries, (0, 2, 1, 3))   # [B,H,L,D]
    k_ = jnp.transpose(keys, (0, 2, 1, 3))
    v = jnp.transpose(values, (0, 2, 1, 3))
    q = jnp.squeeze(q @ Wq.T + bq)             # [B,H,L]
    k_ = jnp.squeeze(k_ @ Wk.T + bk)
    v = jnp.squeeze(v @ Wv.T + bv)
    # L_K == L_Q here, so truncation branch is a no-op slice
    k_ = k_[:, :, -L_Q:]
    v = v[:, :, -L_Q:]
    Q_fft = jnp.fft.rfft(q, n=2 * L_Q - 1)
    K_conj_fft = jnp.conj(jnp.fft.rfft(k_, n=2 * L_Q - 1))
    score = jnp.fft.irfft(Q_fft * K_conj_fft)  # default n = 2*(m-1), like torch
    score = score[:, :, :L_Q] / L_Q
    k = FACTOR * int(np.ceil(np.log(L_Q)))
    weight, indices = jax.lax.top_k(score, k)  # torch uses sorted=False; result invariant under permutation
    weight = jax.nn.softmax(weight, axis=-1)
    indices = L_Q - indices - 1
    # get_roll_V: V_roll[..., s-1, j] = v[..., (j - s) mod L], s = 1..L
    j = jnp.arange(L_Q)
    s = jnp.arange(1, L_Q + 1)
    roll_idx = (j[None, :] - s[:, None]) % L_Q          # [L,L]
    V_roll = v[..., roll_idx]                            # [B,H,L,L] (memory-heavy materialization)
    gathered = V_roll[jnp.arange(B)[:, None, None], jnp.arange(H)[None, :, None], indices, :]  # [B,H,k,L]
    out = jnp.einsum('bhd,bhdl->bhl', weight, gathered)
    return out[..., None]

if __name__ == "__main__":
    import jax
    _d = setup_inputs()
    print(jax.jit(kernel)(*tuple(_d.values())))

</pallas_src>

<mosaic_0001>
#map = affine_map<(d0, d1) -> (0, 0)>
module attributes {stable_mosaic.version = 14 : i64} {
  func.func @_sc_combine_body(%arg0: i32, %arg1: i32, %arg2: memref<24x2048xf32, #tpu.memory_space<hbm>>, %arg3: memref<24x64xi32, #tpu.memory_space<hbm>>, %arg4: memref<24x64xf32, #tpu.memory_space<hbm>>, %arg5: memref<8x2048xf32, #tpu.memory_space<hbm>>, %arg6: memref<4096xf32, #tpu.memory_space<vmem>>, %arg7: memref<2048xf32, #tpu.memory_space<vmem>>, %arg8: memref<64xi32, #tpu.memory_space<vmem>>, %arg9: memref<64xf32, #tpu.memory_space<vmem>>, %arg10: memref<!tpu.dma_semaphore, #tpu.memory_space<semaphore_mem>>) attributes {dimension_semantics = [#tpu.dimension_semantics<core_parallel>, #tpu.dimension_semantics<subcore_parallel>], iteration_bounds = array<i64: 2, 16>, scalar_prefetch = 0 : i64, scratch_operands = 5 : i64, tpu.core_type = #tpu.core_type<sc_vector_subcore>, window_params = [{transform_indices = #map}, {transform_indices = #map}, {transform_indices = #map}, {transform_indices = #map}]} {
    %mul3A = arith.constant 2 : i32
    %mul3A_0 = arith.muli %arg1, %mul3A : i32
    %add3A = arith.addi %mul3A_0, %arg0 : i32
    %lt3A = arith.constant 8 : i32
    %lt3A_1 = arith.cmpi slt, %add3A, %lt3A : i32
    %convert_element_type3A = arith.extui %lt3A_1 : i1 to i32
    %cond3A = arith.constant 0 : i32
    %cond3A_2 = arith.cmpi ne, %convert_element_type3A, %cond3A : i32
    scf.if %cond3A_2 {
      %add3A_3 = arith.constant 16 : i32
      %add3A_4 = arith.addi %add3A, %add3A_3 : i32
      %dma_start3A = arith.constant 0 : i32
      %dma_start3A_5 = tpu.memref_slice %arg6[%dma_start3A] : memref<4096xf32, #tpu.memory_space<vmem>> -> memref<2048xf32, #tpu.memory_space<vmem>>
      %dma_start3A_6 = arith.constant 0 : i32
      %dma_start3A_7 = tpu.memref_slice %arg2[%add3A_4, %dma_start3A_6] : memref<24x2048xf32, #tpu.memory_space<hbm>> -> memref<1x2048xf32, #tpu.memory_space<hbm>>
      %dma_start3A_8 = tpu.memref_squeeze %dma_start3A_7 : memref<1x2048xf32, #tpu.memory_space<hbm>> -> memref<2048xf32, #tpu.memory_space<hbm>>
      %dma_start3A_9 = arith.constant 0 : i32
      %dma_start3A_10 = tpu.memref_slice %arg6[%dma_start3A_9] : memref<4096xf32, #tpu.memory_space<vmem>> -> memref<2048xf32, #tpu.memory_space<vmem>>
      %dma_start3A_11 = arith.constant 0 : i32
      %dma_start3A_12 = tpu.memref_slice %arg2[%add3A_4, %dma_start3A_11] : memref<24x2048xf32, #tpu.memory_space<hbm>> -> memref<1x2048xf32, #tpu.memory_space<hbm>>
      %dma_start3A_13 = tpu.memref_squeeze %dma_start3A_12 : memref<1x2048xf32, #tpu.memory_space<hbm>> -> memref<2048xf32, #tpu.memory_space<hbm>>
      tpu.enqueue_dma source(%dma_start3A_13 : memref<2048xf32, #tpu.memory_space<hbm>>) target(%dma_start3A_10 : memref<2048xf32, #tpu.memory_space<vmem>>) target_semaphore(%arg10 : memref<!tpu.dma_semaphore, #tpu.memory_space<semaphore_mem>>)
      %dma_start3A_14 = arith.constant 2048 : i32
      %dma_start3A_15 = tpu.memref_slice %arg6[%dma_start3A_14] : memref<4096xf32, #tpu.memory_space<vmem>> -> memref<2048xf32, #tpu.memory_space<vmem>>
      %dma_start3A_16 = arith.constant 0 : i32
      %dma_start3A_17 = tpu.memref_slice %arg2[%add3A_4, %dma_start3A_16] : memref<24x2048xf32, #tpu.memory_space<hbm>> -> memref<1x2048xf32, #tpu.memory_space<hbm>>
      %dma_start3A_18 = tpu.memref_squeeze %dma_start3A_17 : memref<1x2048xf32, #tpu.memory_space<hbm>> -> memref<2048xf32, #tpu.memory_space<hbm>>
      %dma_start3A_19 = arith.constant 2048 : i32
      %dma_start3A_20 = tpu.memref_slice %arg6[%dma_start3A_19] : memref<4096xf32, #tpu.memory_space<vmem>> -> memref<2048xf32, #tpu.memory_space<vmem>>
      %dma_start3A_21 = arith.constant 0 : i32
      %dma_start3A_22 = tpu.memref_slice %arg2[%add3A_4, %dma_start3A_21] : memref<24x2048xf32, #tpu.memory_space<hbm>> -> memref<1x2048xf32, #tpu.memory_space<hbm>>
      %dma_start3A_23 = tpu.memref_squeeze %dma_start3A_22 : memref<1x2048xf32, #tpu.memory_space<hbm>> -> memref<2048xf32, #tpu.memory_space<hbm>>
      tpu.enqueue_dma source(%dma_start3A_23 : memref<2048xf32, #tpu.memory_space<hbm>>) target(%dma_start3A_20 : memref<2048xf32, #tpu.memory_space<vmem>>) target_semaphore(%arg10 : memref<!tpu.dma_semaphore, #tpu.memory_space<semaphore_mem>>)
      %dma_start3A_24 = arith.constant 0 : i32
      %dma_start3A_25 = tpu.memref_slice %arg3[%add3A_4, %dma_start3A_24] : memref<24x64xi32, #tpu.memory_space<hbm>> -> memref<1x64xi32, #tpu.memory_space<hbm>>
      %dma_start3A_26 = tpu.memref_squeeze %dma_start3A_25 : memref<1x64xi32, #tpu.memory_space<hbm>> -> memref<64xi32, #tpu.memory_space<hbm>>
      %dma_start3A_27 = arith.constant 0 : i32
      %dma_start3A_28 = tpu.memref_slice %arg3[%add3A_4, %dma_start3A_27] : memref<24x64xi32, #tpu.memory_space<hbm>> -> memref<1x64xi32, #tpu.memory_space<hbm>>
      %dma_start3A_29 = tpu.memref_squeeze %dma_start3A_28 : memref<1x64xi32, #tpu.memory_space<hbm>> -> memref<64xi32, #tpu.memory_space<hbm>>
      tpu.enqueue_dma source(%dma_start3A_29 : memref<64xi32, #tpu.memory_space<hbm>>) target(%arg8 : memref<64xi32, #tpu.memory_space<vmem>>) target_semaphore(%arg10 : memref<!tpu.dma_semaphore, #tpu.memory_space<semaphore_mem>>)
      %dma_start3A_30 = arith.constant 0 : i32
      %dma_start3A_31 = tpu.memref_slice %arg4[%add3A_4, %dma_start3A_30] : memref<24x64xf32, #tpu.memory_space<hbm>> -> memref<1x64xf32, #tpu.memory_space<hbm>>
      %dma_start3A_32 = tpu.memref_squeeze %dma_start3A_31 : memref<1x64xf32, #tpu.memory_space<hbm>> -> memref<64xf32, #tpu.memory_space<hbm>>
      %dma_start3A_33 = arith.constant 0 : i32
      %dma_start3A_34 = tpu.memref_slice %arg4[%add3A_4, %dma_start3A_33] : memref<24x64xf32, #tpu.memory_space<hbm>> -> memref<1x64xf32, #tpu.memory_space<hbm>>
      %dma_start3A_35 = tpu.memref_squeeze %dma_start3A_34 : memref<1x64xf32, #tpu.memory_space<hbm>> -> memref<64xf32, #tpu.memory_space<hbm>>
      tpu.enqueue_dma source(%dma_start3A_35 : memref<64xf32, #tpu.memory_space<hbm>>) target(%arg9 : memref<64xf32, #tpu.memory_space<vmem>>) target_semaphore(%arg10 : memref<!tpu.dma_semaphore, #tpu.memory_space<semaphore_mem>>)
      %dma_wait3A = arith.constant 0 : i32
      %dma_wait3A_36 = tpu.memref_slice %arg6[%dma_wait3A] : memref<4096xf32, #tpu.memory_space<vmem>> -> memref<2048xf32, #tpu.memory_space<vmem>>
      %dma_wait3A_37 = arith.constant 0 : i32
      %dma_wait3A_38 = tpu.memref_slice %arg2[%add3A_4, %dma_wait3A_37] : memref<24x2048xf32, #tpu.memory_space<hbm>> -> memref<1x2048xf32, #tpu.memory_space<hbm>>
      %dma_wait3A_39 = tpu.memref_squeeze %dma_wait3A_38 : memref<1x2048xf32, #tpu.memory_space<hbm>> -> memref<2048xf32, #tpu.memory_space<hbm>>
      %dma_wait3A_40 = arith.constant 0 : i32
      %dma_wait3A_41 = tpu.memref_slice %arg6[%dma_wait3A_40] : memref<4096xf32, #tpu.memory_space<vmem>> -> memref<2048xf32, #tpu.memory_space<vmem>>
      %dma_wait3A_42 = arith.constant 0 : i32
      %dma_wait3A_43 = tpu.memref_slice %arg2[%add3A_4, %dma_wait3A_42] : memref<24x2048xf32, #tpu.memory_space<hbm>> -> memref<1x2048xf32, #tpu.memory_space<hbm>>
      %dma_wait3A_44 = tpu.memref_squeeze %dma_wait3A_43 : memref<1x2048xf32, #tpu.memory_space<hbm>> -> memref<2048xf32, #tpu.memory_space<hbm>>
      tpu.wait_dma2 semaphore(%arg10 : memref<!tpu.dma_semaphore, #tpu.memory_space<semaphore_mem>>) src(%dma_wait3A_44 : memref<2048xf32, #tpu.memory_space<hbm>>) dst(%dma_wait3A_41 : memref<2048xf32, #tpu.memory_space<vmem>>)
      %dma_wait3A_45 = arith.constant 2048 : i32
      %dma_wait3A_46 = tpu.memref_slice %arg6[%dma_wait3A_45] : memref<4096xf32, #tpu.memory_space<vmem>> -> memref<2048xf32, #tpu.memory_space<vmem>>
      %dma_wait3A_47 = arith.constant 0 : i32
      %dma_wait3A_48 = tpu.memref_slice %arg2[%add3A_4, %dma_wait3A_47] : memref<24x2048xf32, #tpu.memory_space<hbm>> -> memref<1x2048xf32, #tpu.memory_space<hbm>>
      %dma_wait3A_49 = tpu.memref_squeeze %dma_wait3A_48 : memref<1x2048xf32, #tpu.memory_space<hbm>> -> memref<2048xf32, #tpu.memory_space<hbm>>
      %dma_wait3A_50 = arith.constant 2048 : i32
      %dma_wait3A_51 = tpu.memref_slice %arg6[%dma_wait3A_50] : memref<4096xf32, #tpu.memory_space<vmem>> -> memref<2048xf32, #tpu.memory_space<vmem>>
      %dma_wait3A_52 = arith.constant 0 : i32
      %dma_wait3A_53 = tpu.memref_slice %arg2[%add3A_4, %dma_wait3A_52] : memref<24x2048xf32, #tpu.memory_space<hbm>> -> memref<1x2048xf32, #tpu.memory_space<hbm>>
      %dma_wait3A_54 = tpu.memref_squeeze %dma_wait3A_53 : memref<1x2048xf32, #tpu.memory_space<hbm>> -> memref<2048xf32, #tpu.memory_space<hbm>>
      tpu.wait_dma2 semaphore(%arg10 : memref<!tpu.dma_semaphore, #tpu.memory_space<semaphore_mem>>) src(%dma_wait3A_54 : memref<2048xf32, #tpu.memory_space<hbm>>) dst(%dma_wait3A_51 : memref<2048xf32, #tpu.memory_space<vmem>>)
      %dma_wait3A_55 = arith.constant 0 : i32
      %dma_wait3A_56 = tpu.memref_slice %arg3[%add3A_4, %dma_wait3A_55] : memref<24x64xi32, #tpu.memory_space<hbm>> -> memref<1x64xi32, #tpu.memory_space<hbm>>
      %dma_wait3A_57 = tpu.memref_squeeze %dma_wait3A_56 : memref<1x64xi32, #tpu.memory_space<hbm>> -> memref<64xi32, #tpu.memory_space<hbm>>
      %dma_wait3A_58 = arith.constant 0 : i32
      %dma_wait3A_59 = tpu.memref_slice %arg3[%add3A_4, %dma_wait3A_58] : memref<24x64xi32, #tpu.memory_space<hbm>> -> memref<1x64xi32, #tpu.memory_space<hbm>>
      %dma_wait3A_60 = tpu.memref_squeeze %dma_wait3A_59 : memref<1x64xi32, #tpu.memory_space<hbm>> -> memref<64xi32, #tpu.memory_space<hbm>>
      tpu.wait_dma2 semaphore(%arg10 : memref<!tpu.dma_semaphore, #tpu.memory_space<semaphore_mem>>) src(%dma_wait3A_60 : memref<64xi32, #tpu.memory_space<hbm>>) dst(%arg8 : memref<64xi32, #tpu.memory_space<vmem>>)
      %dma_wait3A_61 = arith.constant 0 : i32
      %dma_wait3A_62 = tpu.memref_slice %arg4[%add3A_4, %dma_wait3A_61] : memref<24x64xf32, #tpu.memory_space<hbm>> -> memref<1x64xf32, #tpu.memory_space<hbm>>
      %dma_wait3A_63 = tpu.memref_squeeze %dma_wait3A_62 : memref<1x64xf32, #tpu.memory_space<hbm>> -> memref<64xf32, #tpu.memory_space<hbm>>
      %dma_wait3A_64 = arith.constant 0 : i32
      %dma_wait3A_65 = tpu.memref_slice %arg4[%add3A_4, %dma_wait3A_64] : memref<24x64xf32, #tpu.memory_space<hbm>> -> memref<1x64xf32, #tpu.memory_space<hbm>>
      %dma_wait3A_66 = tpu.memref_squeeze %dma_wait3A_65 : memref<1x64xf32, #tpu.memory_space<hbm>> -> memref<64xf32, #tpu.memory_space<hbm>>
      tpu.wait_dma2 semaphore(%arg10 : memref<!tpu.dma_semaphore, #tpu.memory_space<semaphore_mem>>) src(%dma_wait3A_66 : memref<64xf32, #tpu.memory_space<hbm>>) dst(%arg9 : memref<64xf32, #tpu.memory_space<vmem>>)
      %iota3A = tpu.iota {dimensions = array<i32: 0>} : vector<16xi32>
      %scan3A = arith.constant 0 : i32
      %scan3A_67 = arith.constant 128 : i32
      %scan3A_68 = arith.addi %scan3A, %scan3A_67 : i32
      %scan3A_69 = arith.constant 1 : i32
      scf.for %scan3A_88 = %scan3A to %scan3A_68 step %scan3A_69  : i32 {
        %mul3A_89 = arith.constant 1 : i32
        %mul3A_90 = arith.muli %scan3A_88, %mul3A_89 : i32
        %add3A_91 = arith.constant 0 : i32
        %add3A_92 = arith.addi %add3A_91, %mul3A_90 : i32
        %mul3A_93 = arith.constant 16 : i32
        %mul3A_94 = arith.muli %add3A_92, %mul3A_93 : i32
        %add3A_95 = vector.broadcast %mul3A_94 : i32 to vector<16xi32>
        %add3A_96 = arith.addi %add3A_95, %iota3A : vector<16xi32>
        %broadcast_in_dim3A = arith.constant 0.000000e+00 : f32
        %broadcast_in_dim3A_97 = vector.broadcast %broadcast_in_dim3A : f32 to vector<16xf32>
        tpu.vector_store_idx %arg7[%add3A_96], %broadcast_in_dim3A_97 : memref<2048xf32, #tpu.memory_space<vmem>>[vector<16xi32>], vector<16xf32>,
      }
      %scan3A_70 = arith.constant 128 : i32
      %scan3A_71 = arith.constant 0 : i32
      %scan3A_72 = arith.constant 40 : i32
      %scan3A_73 = arith.addi %scan3A_71, %scan3A_72 : i32
      %scan3A_74 = arith.constant 1 : i32
      scf.for %scan3A_88 = %scan3A_71 to %scan3A_73 step %scan3A_74  : i32 {
        %mul3A_89 = arith.constant 1 : i32
        %mul3A_90 = arith.muli %scan3A_88, %mul3A_89 : i32
        %add3A_91 = arith.constant 0 : i32
        %add3A_92 = arith.addi %add3A_91, %mul3A_90 : i32
        %broadcast_in_dim3A = vector.broadcast %add3A_92 : i32 to vector<16xi32>
        %gather3A = tpu.vector_load_idx %arg8[%broadcast_in_dim3A] : memref<64xi32, #tpu.memory_space<vmem>>[vector<16xi32>], vector<16xi32>,
        %gather3A_93 = tpu.vector_load_idx %arg9[%broadcast_in_dim3A] : memref<64xf32, #tpu.memory_space<vmem>>[vector<16xi32>], vector<16xf32>,
        %scan3A_94 = arith.constant 0 : i32
        %scan3A_95 = arith.constant 128 : i32
        %scan3A_96 = arith.addi %scan3A_94, %scan3A_95 : i32
        %scan3A_97 = arith.constant 1 : i32
        scf.for %scan3A_99 = %scan3A_94 to %scan3A_96 step %scan3A_97  : i32 {
          %mul3A_100 = arith.constant 1 : i32
          %mul3A_101 = arith.muli %scan3A_99, %mul3A_100 : i32
          %add3A_102 = arith.constant 0 : i32
          %add3A_103 = arith.addi %add3A_102, %mul3A_101 : i32
          %mul3A_104 = arith.constant 16 : i32
          %mul3A_105 = arith.muli %add3A_103, %mul3A_104 : i32
          %add3A_106 = vector.broadcast %mul3A_105 : i32 to vector<16xi32>
          %add3A_107 = arith.addi %add3A_106, %iota3A : vector<16xi32>
          %add3A_108 = arith.addi %gather3A, %add3A_107 : vector<16xi32>
          %gather3A_109 = tpu.vector_load_idx %arg6[%add3A_108] : memref<4096xf32, #tpu.memory_space<vmem>>[vector<16xi32>], vector<16xf32>,
          %mul3A_110 = arith.mulf %gather3A_93, %gather3A_109 : vector<16xf32>
          tpu.vector_store_idx %arg7[%add3A_107], %mul3A_110 {add = true} : memref<2048xf32, #tpu.memory_space<vmem>>[vector<16xi32>], vector<16xf32>,
        }
        %scan3A_98 = arith.constant 128 : i32
      }
      %scan3A_75 = arith.constant 40 : i32
      %dma_start3A_76 = arith.constant 0 : i32
      %dma_start3A_77 = tpu.memref_slice %arg5[%add3A, %dma_start3A_76] : memref<8x2048xf32, #tpu.memory_space<hbm>> -> memref<1x2048xf32, #tpu.memory_space<hbm>>
      %dma_start3A_78 = tpu.memref_squeeze %dma_start3A_77 : memref<1x2048xf32, #tpu.memory_space<hbm>> -> memref<2048xf32, #tpu.memory_space<hbm>>
      %dma_start3A_79 = arith.constant 0 : i32
      %dma_start3A_80 = tpu.memref_slice %arg5[%add3A, %dma_start3A_79] : memref<8x2048xf32, #tpu.memory_space<hbm>> -> memref<1x2048xf32, #tpu.memory_space<hbm>>
      %dma_start3A_81 = tpu.memref_squeeze %dma_start3A_80 : memref<1x2048xf32, #tpu.memory_space<hbm>> -> memref<2048xf32, #tpu.memory_space<hbm>>
      tpu.enqueue_dma source(%arg7 : memref<2048xf32, #tpu.memory_space<vmem>>) target(%dma_start3A_81 : memref<2048xf32, #tpu.memory_space<hbm>>) target_semaphore(%arg10 : memref<!tpu.dma_semaphore, #tpu.memory_space<semaphore_mem>>)
      %dma_wait3A_82 = arith.constant 0 : i32
      %dma_wait3A_83 = tpu.memref_slice %arg5[%add3A, %dma_wait3A_82] : memref<8x2048xf32, #tpu.memory_space<hbm>> -> memref<1x2048xf32, #tpu.memory_space<hbm>>
      %dma_wait3A_84 = tpu.memref_squeeze %dma_wait3A_83 : memref<1x2048xf32, #tpu.memory_space<hbm>> -> memref<2048xf32, #tpu.memory_space<hbm>>
      %dma_wait3A_85 = arith.constant 0 : i32
      %dma_wait3A_86 = tpu.memref_slice %arg5[%add3A, %dma_wait3A_85] : memref<8x2048xf32, #tpu.memory_space<hbm>> -> memref<1x2048xf32, #tpu.memory_space<hbm>>
      %dma_wait3A_87 = tpu.memref_squeeze %dma_wait3A_86 : memref<1x2048xf32, #tpu.memory_space<hbm>> -> memref<2048xf32, #tpu.memory_space<hbm>>
      tpu.wait_dma2 semaphore(%arg10 : memref<!tpu.dma_semaphore, #tpu.memory_space<semaphore_mem>>) src(%arg7 : memref<2048xf32, #tpu.memory_space<vmem>>) dst(%dma_wait3A_87 : memref<2048xf32, #tpu.memory_space<hbm>>)
    } else {
    }
    return
  }
}

module attributes {stable_mosaic.version = 14 : i64} {
  func.func @_proj_body(%arg0: i32, %arg1: memref<1x2048x768xf32, #tpu.memory_space<vmem>>, %arg2: memref<1x2048x768xf32, #tpu.memory_space<vmem>>, %arg3: memref<1x2048x768xf32, #tpu.memory_space<vmem>>, %arg4: memref<768x36xbf16, #tpu.memory_space<vmem>>, %arg5: memref<1x36xf32, #tpu.memory_space<vmem>>, %arg6: memref<1x2048x36xf32, #tpu.memory_space<vmem>>) attributes {dimension_semantics = [#tpu.dimension_semantics<arbitrary>], iteration_bounds = array<i64: 2>, scalar_prefetch = 0 : i64, scratch_operands = 0 : i64, tpu.core_type = #tpu.core_type<tc>, window_params = [{transform_indices = @transform_0, window_bounds = array<i64: 1, 2048, 768>}, {transform_indices = @transform_1, window_bounds = array<i64: 1, 2048, 768>}, {transform_indices = @transform_2, window_bounds = array<i64: 1, 2048, 768>}, {pipeline_mode = #tpu.pipeline_mode<synchronous>, transform_indices = @transform_3, window_bounds = array<i64: 768, 36>}, {pipeline_mode = #tpu.pipeline_mode<synchronous>, transform_indices = @transform_4, window_bounds = array<i64: 1, 36>}, {transform_indices = @transform_5, window_bounds = array<i64: 1, 2048, 36>}]} {
    %get3A = arith.constant 0 : index
    %get3A_0 = arith.constant 0 : index
    %get3A_1 = vector.load %arg4[%get3A, %get3A_0] : memref<768x36xbf16, #tpu.memory_space<vmem>>, vector<768x36xbf16>
    %get3A_2 = arith.constant 0 : index
    %get3A_3 = arith.constant 0 : index
    %get3A_4 = vector.load %arg5[%get3A_2, %get3A_3] : memref<1x36xf32, #tpu.memory_space<vmem>>, vector<1x36xf32>
    %get3A_5 = arith.constant 0 : index
    %get3A_6 = arith.constant 0 : index
    %get3A_7 = arith.constant 0 : index
    %get3A_8 = vector.load %arg1[%get3A_5, %get3A_6, %get3A_7] : memref<1x2048x768xf32, #tpu.memory_space<vmem>>, vector<1x2048x768xf32>
    %get3A_9 = vector.shape_cast %get3A_8 : vector<1x2048x768xf32> to vector<2048x768xf32>
    %convert_element_type3A = arith.truncf %get3A_9 : vector<2048x768xf32> to vector<2048x768xbf16>
    %get3A_10 = arith.constant 0 : index
    %get3A_11 = arith.constant 0 : index
    %get3A_12 = arith.constant 0 : index
    %get3A_13 = vector.load %arg2[%get3A_10, %get3A_11, %get3A_12] : memref<1x2048x768xf32, #tpu.memory_space<vmem>>, vector<1x2048x768xf32>
    %get3A_14 = vector.shape_cast %get3A_13 : vector<1x2048x768xf32> to vector<2048x768xf32>
    %convert_element_type3A_15 = arith.truncf %get3A_14 : vector<2048x768xf32> to vector<2048x768xbf16>
    %get3A_16 = arith.constant 0 : index
    %get3A_17 = arith.constant 0 : index
    %get3A_18 = arith.constant 0 : index
    %get3A_19 = vector.load %arg3[%get3A_16, %get3A_17, %get3A_18] : memref<1x2048x768xf32, #tpu.memory_space<vmem>>, vector<1x2048x768xf32>
    %get3A_20 = vector.shape_cast %get3A_19 : vector<1x2048x768xf32> to vector<2048x768xf32>
    %convert_element_type3A_21 = arith.truncf %get3A_20 : vector<2048x768xf32> to vector<2048x768xbf16>
    %slice3A = vector.extract_strided_slice %get3A_1 {offsets = [0, 0], sizes = [768, 12], strides = [1, 1]} : vector<768x36xbf16> to vector<768x12xbf16>
    %dot_general3A = arith.constant dense<0.000000e+00> : vector<2048x12xf32>
    %dot_general3A_22 = tpu.matmul %convert_element_type3A, %slice3A, %dot_general3A {dimension_numbers = #tpu.dot_dimension_numbers<[1], [0], [0], [1], [0, 0, 1, 1], [], []>, transpose_lhs_hint = false} : vector<2048x768xbf16>, vector<768x12xbf16>, vector<2048x12xf32> -> vector<2048x12xf32>
    %slice3A_23 = vector.extract_strided_slice %get3A_4 {offsets = [0, 0], sizes = [1, 12], strides = [1, 1]} : vector<1x36xf32> to vector<1x12xf32>
    %add3A = vector.broadcast %slice3A_23 : vector<1x12xf32> to vector<2048x12xf32>
    %add3A_24 = arith.addf %dot_general3A_22, %add3A : vector<2048x12xf32>
    %swap3A = arith.constant 0 : index
    %swap3A_25 = arith.constant 0 : index
    %swap3A_26 = arith.constant 0 : index
    %swap3A_27 = vector.load %arg6[%swap3A, %swap3A_25, %swap3A_26] : memref<1x2048x36xf32, #tpu.memory_space<vmem>>, vector<1x2048x12xf32>
    %swap3A_28 = vector.shape_cast %swap3A_27 : vector<1x2048x12xf32> to vector<2048x12xf32>
    %swap3A_29 = vector.shape_cast %add3A_24 : vector<2048x12xf32> to vector<1x2048x12xf32>
    tpu.vector_store %arg6[%swap3A, %swap3A_25, %swap3A_26], %swap3A_29 {strides = array<i32>} : memref<1x2048x36xf32, #tpu.memory_space<vmem>>, vector<1x2048x12xf32>,
    %slice3A_30 = vector.extract_strided_slice %get3A_1 {offsets = [0, 12], sizes = [768, 12], strides = [1, 1]} : vector<768x36xbf16> to vector<768x12xbf16>
    %dot_general3A_31 = arith.constant dense<0.000000e+00> : vector<2048x12xf32>
    %dot_general3A_32 = tpu.matmul %convert_element_type3A_15, %slice3A_30, %dot_general3A_31 {dimension_numbers = #tpu.dot_dimension_numbers<[1], [0], [0], [1], [0, 0, 1, 1], [], []>, transpose_lhs_hint = false} : vector<2048x768xbf16>, vector<768x12xbf16>, vector<2048x12xf32> -> vector<2048x12xf32>
    %slice3A_33 = vector.extract_strided_slice %get3A_4 {offsets = [0, 12], sizes = [1, 12], strides = [1, 1]} : vector<1x36xf32> to vector<1x12xf32>
    %add3A_34 = vector.broadcast %slice3A_33 : vector<1x12xf32> to vector<2048x12xf32>
    %add3A_35 = arith.addf %dot_general3A_32, %add3A_34 : vector<2048x12xf32>
    %swap3A_36 = arith.constant 0 : index
    %swap3A_37 = arith.constant 0 : index
    %swap3A_38 = arith.constant 12 : index
    %swap3A_39 = vector.load %arg6[%swap3A_36, %swap3A_37, %swap3A_38] : memref<1x2048x36xf32, #tpu.memory_space<vmem>>, vector<1x2048x12xf32>
    %swap3A_40 = vector.shape_cast %swap3A_39 : vector<1x2048x12xf32> to vector<2048x12xf32>
    %swap3A_41 = vector.shape_cast %add3A_35 : vector<2048x12xf32> to vector<1x2048x12xf32>
    tpu.vector_store %arg6[%swap3A_36, %swap3A_37, %swap3A_38], %swap3A_41 {strides = array<i32>} : memref<1x2048x36xf32, #tpu.memory_space<vmem>>, vector<1x2048x12xf32>,
    %slice3A_42 = vector.extract_strided_slice %get3A_1 {offsets = [0, 24], sizes = [768, 12], strides = [1, 1]} : vector<768x36xbf16> to vector<768x12xbf16>
    %dot_general3A_43 = arith.constant dense<0.000000e+00> : vector<2048x12xf32>
    %dot_general3A_44 = tpu.matmul %convert_element_type3A_21, %slice3A_42, %dot_general3A_43 {dimension_numbers = #tpu.dot_dimension_numbers<[1], [0], [0], [1], [0, 0, 1, 1], [], []>, transpose_lhs_hint = false} : vector<2048x768xbf16>, vector<768x12xbf16>, vector<2048x12xf32> -> vector<2048x12xf32>
    %slice3A_45 = vector.extract_strided_slice %get3A_4 {offsets = [0, 24], sizes = [1, 12], strides = [1, 1]} : vector<1x36xf32> to vector<1x12xf32>
    %add3A_46 = vector.broadcast %slice3A_45 : vector<1x12xf32> to vector<2048x12xf32>
    %add3A_47 = arith.addf %dot_general3A_44, %add3A_46 : vector<2048x12xf32>
    %swap3A_48 = arith.constant 0 : index
    %swap3A_49 = arith.constant 0 : index
    %swap3A_50 = arith.constant 24 : index
    %swap3A_51 = vector.load %arg6[%swap3A_48, %swap3A_49, %swap3A_50] : memref<1x2048x36xf32, #tpu.memory_space<vmem>>, vector<1x2048x12xf32>
    %swap3A_52 = vector.shape_cast %swap3A_51 : vector<1x2048x12xf32> to vector<2048x12xf32>
    %swap3A_53 = vector.shape_cast %add3A_47 : vector<2048x12xf32> to vector<1x2048x12xf32>
    tpu.vector_store %arg6[%swap3A_48, %swap3A_49, %swap3A_50], %swap3A_53 {strides = array<i32>} : memref<1x2048x36xf32, #tpu.memory_space<vmem>>, vector<1x2048x12xf32>,
    return
  }
  func.func @transform_0(%arg0: i32) -> (i32, i32, i32) {
    %c0_i32 = arith.constant 0 : i32
    %c0_i32_0 = arith.constant 0 : i32
    %c0_i32_1 = arith.constant 0 : i32
    return %arg0, %c0_i32, %c0_i32_0 : i32, i32, i32
  }
  func.func @transform_1(%arg0: i32) -> (i32, i32, i32) {
    %c0_i32 = arith.constant 0 : i32
    %c0_i32_0 = arith.constant 0 : i32
    %c0_i32_1 = arith.constant 0 : i32
    return %arg0, %c0_i32, %c0_i32_0 : i32, i32, i32
  }
  func.func @transform_2(%arg0: i32) -> (i32, i32, i32) {
    %c0_i32 = arith.constant 0 : i32
    %c0_i32_0 = arith.constant 0 : i32
    %c0_i32_1 = arith.constant 0 : i32
    return %arg0, %c0_i32, %c0_i32_0 : i32, i32, i32
  }
  func.func @transform_3(%arg0: i32) -> (i32, i32) {
    %c0_i32 = arith.constant 0 : i32
    %c0_i32_0 = arith.constant 0 : i32
    %c0_i32_1 = arith.constant 0 : i32
    return %c0_i32, %c0_i32_0 : i32, i32
  }
  func.func @transform_4(%arg0: i32) -> (i32, i32) {
    %c0_i32 = arith.constant 0 : i32
    %c0_i32_0 = arith.constant 0 : i32
    %c0_i32_1 = arith.constant 0 : i32
    return %c0_i32, %c0_i32_0 : i32, i32
  }
  func.func @transform_5(%arg0: i32) -> (i32, i32, i32) {
    %c0_i32 = arith.constant 0 : i32
    %c0_i32_0 = arith.constant 0 : i32
    %c0_i32_1 = arith.constant 0 : i32
    return %arg0, %c0_i32, %c0_i32_0 : i32, i32, i32
  }
}

module attributes {stable_mosaic.version = 14 : i64} {
  func.func @_score_body(%arg0: i32, %arg1: memref<48x2048xf32, #tpu.memory_space<vmem>>, %arg2: memref<1x2048x512xbf16, #tpu.memory_space<vmem>>, %arg3: memref<1x2048x512xbf16, #tpu.memory_space<vmem>>, %arg4: memref<1x2048x512xbf16, #tpu.memory_space<vmem>>, %arg5: memref<1x512x2048xbf16, #tpu.memory_space<vmem>>, %arg6: memref<1x512x2048xbf16, #tpu.memory_space<vmem>>, %arg7: memref<1x512x2048xbf16, #tpu.memory_space<vmem>>, %arg8: memref<24x64xf32, #tpu.memory_space<vmem>>, %arg9: memref<24x64xi32, #tpu.memory_space<vmem>>, %arg10: memref<24x2048xf32, #tpu.memory_space<vmem>>) attributes {dimension_semantics = [#tpu.dimension_semantics<arbitrary>], iteration_bounds = array<i64: 8>, scalar_prefetch = 0 : i64, scratch_operands = 1 : i64, tpu.core_type = #tpu.core_type<tc>, window_params = [{pipeline_mode = #tpu.pipeline_mode<synchronous>, transform_indices = @transform_0, window_bounds = array<i64: 48, 2048>}, {transform_indices = @transform_1, window_bounds = array<i64: 1, 2048, 512>}, {transform_indices = @transform_2, window_bounds = array<i64: 1, 2048, 512>}, {transform_indices = @transform_3, window_bounds = array<i64: 1, 2048, 512>}, {transform_indices = @transform_4, window_bounds = array<i64: 1, 512, 2048>}, {transform_indices = @transform_5, window_bounds = array<i64: 1, 512, 2048>}, {transform_indices = @transform_6, window_bounds = array<i64: 1, 512, 2048>}, {pipeline_mode = #tpu.pipeline_mode<synchronous>, transform_indices = @transform_7, window_bounds = array<i64: 24, 64>}, {pipeline_mode = #tpu.pipeline_mode<synchronous>, transform_indices = @transform_8, window_bounds = array<i64: 24, 64>}]} {
    %eq3A = arith.constant 0 : i32
    %eq3A_0 = arith.cmpi eq, %arg0, %eq3A : i32
    %convert_element_type3A = arith.extui %eq3A_0 : i1 to i32
    %cond3A = arith.constant 0 : i32
    %cond3A_1 = arith.cmpi ne, %convert_element_type3A, %cond3A : i32
    scf.if %cond3A_1 {
      %broadcast_in_dim3A_125 = arith.constant 0.000000e+00 : f32
      %broadcast_in_dim3A_126 = vector.broadcast %broadcast_in_dim3A_125 : f32 to vector<24x2048xf32>
      %swap3A_127 = arith.constant 0 : index
      %swap3A_128 = arith.constant 0 : index
      %swap3A_129 = vector.load %arg10[%swap3A_127, %swap3A_128] : memref<24x2048xf32, #tpu.memory_space<vmem>>, vector<24x2048xf32>
      tpu.vector_store %arg10[%swap3A_127, %swap3A_128], %broadcast_in_dim3A_126 {strides = array<i32>} : memref<24x2048xf32, #tpu.memory_space<vmem>>, vector<24x2048xf32>,
    } else {
    }
    %get3A = arith.constant 0 : index
    %get3A_2 = arith.constant 0 : index
    %get3A_3 = vector.load %arg1[%get3A, %get3A_2] : memref<48x2048xf32, #tpu.memory_space<vmem>>, vector<48x2048xf32>
    %convert_element_type3A_4 = arith.truncf %get3A_3 : vector<48x2048xf32> to vector<48x2048xbf16>
    %convert_element_type3A_5 = arith.extf %convert_element_type3A_4 : vector<48x2048xbf16> to vector<48x2048xf32>
    %sub3A = arith.subf %get3A_3, %convert_element_type3A_5 : vector<48x2048xf32>
    %convert_element_type3A_6 = arith.truncf %sub3A : vector<48x2048xf32> to vector<48x2048xbf16>
    %convert_element_type3A_7 = arith.extf %convert_element_type3A_6 : vector<48x2048xbf16> to vector<48x2048xf32>
    %sub3A_8 = arith.subf %sub3A, %convert_element_type3A_7 : vector<48x2048xf32>
    %convert_element_type3A_9 = arith.truncf %sub3A_8 : vector<48x2048xf32> to vector<48x2048xbf16>
    %get3A_10 = arith.constant 0 : index
    %get3A_11 = arith.constant 0 : index
    %get3A_12 = arith.constant 0 : index
    %get3A_13 = vector.load %arg2[%get3A_10, %get3A_11, %get3A_12] : memref<1x2048x512xbf16, #tpu.memory_space<vmem>>, vector<1x2048x512xbf16>
    %get3A_14 = vector.shape_cast %get3A_13 : vector<1x2048x512xbf16> to vector<2048x512xbf16>
    %get3A_15 = arith.constant 0 : index
    %get3A_16 = arith.constant 0 : index
    %get3A_17 = arith.constant 0 : index
    %get3A_18 = vector.load %arg3[%get3A_15, %get3A_16, %get3A_17] : memref<1x2048x512xbf16, #tpu.memory_space<vmem>>, vector<1x2048x512xbf16>
    %get3A_19 = vector.shape_cast %get3A_18 : vector<1x2048x512xbf16> to vector<2048x512xbf16>
    %get3A_20 = arith.constant 0 : index
    %get3A_21 = arith.constant 0 : index
    %get3A_22 = arith.constant 0 : index
    %get3A_23 = vector.load %arg4[%get3A_20, %get3A_21, %get3A_22] : memref<1x2048x512xbf16, #tpu.memory_space<vmem>>, vector<1x2048x512xbf16>
    %get3A_24 = vector.shape_cast %get3A_23 : vector<1x2048x512xbf16> to vector<2048x512xbf16>
    %dot_general3A = arith.constant dense<0.000000e+00> : vector<48x512xf32>
    %dot_general3A_25 = tpu.matmul %convert_element_type3A_4, %get3A_24, %dot_general3A {dimension_numbers = #tpu.dot_dimension_numbers<[1], [0], [0], [1], [0, 0, 1, 1], [], []>, transpose_lhs_hint = false} : vector<48x2048xbf16>, vector<2048x512xbf16>, vector<48x512xf32> -> vector<48x512xf32>
    %dot_general3A_26 = arith.constant dense<0.000000e+00> : vector<48x512xf32>
    %dot_general3A_27 = tpu.matmul %convert_element_type3A_6, %get3A_19, %dot_general3A_26 {dimension_numbers = #tpu.dot_dimension_numbers<[1], [0], [0], [1], [0, 0, 1, 1], [], []>, transpose_lhs_hint = false} : vector<48x2048xbf16>, vector<2048x512xbf16>, vector<48x512xf32> -> vector<48x512xf32>
    %add3A = arith.addf %dot_general3A_25, %dot_general3A_27 : vector<48x512xf32>
    %dot_general3A_28 = arith.constant dense<0.000000e+00> : vector<48x512xf32>
    %dot_general3A_29 = tpu.matmul %convert_element_type3A_9, %get3A_14, %dot_general3A_28 {dimension_numbers = #tpu.dot_dimension_numbers<[1], [0], [0], [1], [0, 0, 1, 1], [], []>, transpose_lhs_hint = false} : vector<48x2048xbf16>, vector<2048x512xbf16>, vector<48x512xf32> -> vector<48x512xf32>
    %add3A_30 = arith.addf %add3A, %dot_general3A_29 : vector<48x512xf32>
    %dot_general3A_31 = arith.constant dense<0.000000e+00> : vector<48x512xf32>
    %dot_general3A_32 = tpu.matmul %convert_element_type3A_4, %get3A_19, %dot_general3A_31 {dimension_numbers = #tpu.dot_dimension_numbers<[1], [0], [0], [1], [0, 0, 1, 1], [], []>, transpose_lhs_hint = false} : vector<48x2048xbf16>, vector<2048x512xbf16>, vector<48x512xf32> -> vector<48x512xf32>
    %dot_general3A_33 = arith.constant dense<0.000000e+00> : vector<48x512xf32>
    %dot_general3A_34 = tpu.matmul %convert_element_type3A_6, %get3A_14, %dot_general3A_33 {dimension_numbers = #tpu.dot_dimension_numbers<[1], [0], [0], [1], [0, 0, 1, 1], [], []>, transpose_lhs_hint = false} : vector<48x2048xbf16>, vector<2048x512xbf16>, vector<48x512xf32> -> vector<48x512xf32>
    %add3A_35 = arith.addf %dot_general3A_32, %dot_general3A_34 : vector<48x512xf32>
    %add3A_36 = arith.addf %add3A_30, %add3A_35 : vector<48x512xf32>
    %dot_general3A_37 = arith.constant dense<0.000000e+00> : vector<48x512xf32>
    %dot_general3A_38 = tpu.matmul %convert_element_type3A_4, %get3A_14, %dot_general3A_37 {dimension_numbers = #tpu.dot_dimension_numbers<[1], [0], [0], [1], [0, 0, 1, 1], [], []>, transpose_lhs_hint = false} : vector<48x2048xbf16>, vector<2048x512xbf16>, vector<48x512xf32> -> vector<48x512xf32>
    %add3A_39 = arith.addf %add3A_36, %dot_general3A_38 : vector<48x512xf32>
    %slice3A = vector.extract_strided_slice %add3A_39 {offsets = [0, 0], sizes = [48, 256], strides = [1, 1]} : vector<48x512xf32> to vector<48x256xf32>
    %slice3A_40 = vector.extract_strided_slice %add3A_39 {offsets = [0, 256], sizes = [48, 256], strides = [1, 1]} : vector<48x512xf32> to vector<48x256xf32>
    %neg3A = arith.constant 0.000000e+00 : f32
    %neg3A_41 = vector.broadcast %neg3A : f32 to vector<48x256xf32>
    %neg3A_42 = arith.subf %neg3A_41, %slice3A_40 : vector<48x256xf32>
    %slice3A_43 = vector.extract_strided_slice %slice3A {offsets = [0, 0], sizes = [24, 256], strides = [1, 1]} : vector<48x256xf32> to vector<24x256xf32>
    %slice3A_44 = vector.extract_strided_slice %slice3A {offsets = [24, 0], sizes = [24, 256], strides = [1, 1]} : vector<48x256xf32> to vector<24x256xf32>
    %slice3A_45 = vector.extract_strided_slice %neg3A_42 {offsets = [0, 0], sizes = [24, 256], strides = [1, 1]} : vector<48x256xf32> to vector<24x256xf32>
    %slice3A_46 = vector.extract_strided_slice %neg3A_42 {offsets = [24, 0], sizes = [24, 256], strides = [1, 1]} : vector<48x256xf32> to vector<24x256xf32>
    %mul3A = arith.mulf %slice3A_43, %slice3A_44 : vector<24x256xf32>
    %mul3A_47 = arith.mulf %slice3A_45, %slice3A_46 : vector<24x256xf32>
    %add3A_48 = arith.addf %mul3A, %mul3A_47 : vector<24x256xf32>
    %mul3A_49 = arith.mulf %slice3A_45, %slice3A_44 : vector<24x256xf32>
    %mul3A_50 = arith.mulf %slice3A_43, %slice3A_46 : vector<24x256xf32>
    %sub3A_51 = arith.subf %mul3A_49, %mul3A_50 : vector<24x256xf32>
    %mul3A_52 = arith.constant 256 : i32
    %mul3A_53 = arith.muli %arg0, %mul3A_52 : i32
    %iota3A = tpu.iota {dimensions = array<i32: 1>} : vector<24x256xi32>
    %add3A_54 = vector.broadcast %mul3A_53 : i32 to vector<24x256xi32>
    %add3A_55 = arith.addi %add3A_54, %iota3A : vector<24x256xi32>
    %eq3A_56 = arith.constant 0 : i32
    %eq3A_57 = vector.broadcast %eq3A_56 : i32 to vector<24x256xi32>
    %eq3A_58 = arith.cmpi eq, %add3A_55, %eq3A_57 : vector<24x256xi32>
    %eq3A_59 = arith.constant 2047 : i32
    %eq3A_60 = vector.broadcast %eq3A_59 : i32 to vector<24x256xi32>
    %eq3A_61 = arith.cmpi eq, %add3A_55, %eq3A_60 : vector<24x256xi32>
    %or3A = arith.ori %eq3A_58, %eq3A_61 : vector<24x256xi1>
    %jit3A = arith.constant 1.000000e+00 : f32
    %jit3A_62 = arith.constant 2.000000e+00 : f32
    %broadcast_in_dim3A = vector.broadcast %jit3A : f32 to vector<24x256xf32>
    %broadcast_in_dim3A_63 = vector.broadcast %jit3A_62 : f32 to vector<24x256xf32>
    %select_n3A = arith.select %or3A, %broadcast_in_dim3A, %broadcast_in_dim3A_63 : vector<24x256xi1>, vector<24x256xf32>
    %eq3A_64 = arith.constant 2047 : i32
    %eq3A_65 = vector.broadcast %eq3A_64 : i32 to vector<24x256xi32>
    %eq3A_66 = arith.cmpi eq, %add3A_55, %eq3A_65 : vector<24x256xi32>
    %jit3A_67 = arith.constant 0.000000e+00 : f32
    %broadcast_in_dim3A_68 = vector.broadcast %jit3A_67 : f32 to vector<24x256xf32>
    %select_n3A_69 = arith.select %eq3A_66, %broadcast_in_dim3A_68, %select_n3A : vector<24x256xi1>, vector<24x256xf32>
    %mul3A_70 = arith.mulf %add3A_48, %select_n3A : vector<24x256xf32>
    %mul3A_71 = arith.mulf %sub3A_51, %select_n3A_69 : vector<24x256xf32>
    %neg3A_72 = arith.constant 0.000000e+00 : f32
    %neg3A_73 = vector.broadcast %neg3A_72 : f32 to vector<24x256xf32>
    %neg3A_74 = arith.subf %neg3A_73, %mul3A_71 : vector<24x256xf32>
    %concatenate3A = tpu.concatenate %mul3A_70, %neg3A_74 in 1 : vector<24x256xf32>, vector<24x256xf32> -> vector<24x512xf32>
    %get3A_75 = arith.constant 0 : index
    %get3A_76 = arith.constant 0 : index
    %get3A_77 = vector.load %arg10[%get3A_75, %get3A_76] : memref<24x2048xf32, #tpu.memory_space<vmem>>, vector<24x2048xf32>
    %convert_element_type3A_78 = arith.truncf %concatenate3A : vector<24x512xf32> to vector<24x512xbf16>
    %convert_element_type3A_79 = arith.extf %convert_element_type3A_78 : vector<24x512xbf16> to vector<24x512xf32>
    %sub3A_80 = arith.subf %concatenate3A, %convert_element_type3A_79 : vector<24x512xf32>
    %convert_element_type3A_81 = arith.truncf %sub3A_80 : vector<24x512xf32> to vector<24x512xbf16>
    %convert_element_type3A_82 = arith.extf %convert_element_type3A_81 : vector<24x512xbf16> to vector<24x512xf32>
    %sub3A_83 = arith.subf %sub3A_80, %convert_element_type3A_82 : vector<24x512xf32>
    %convert_element_type3A_84 = arith.truncf %sub3A_83 : vector<24x512xf32> to vector<24x512xbf16>
    %get3A_85 = arith.constant 0 : index
    %get3A_86 = arith.constant 0 : index
    %get3A_87 = arith.constant 0 : index
    %get3A_88 = vector.load %arg5[%get3A_85, %get3A_86, %get3A_87] : memref<1x512x2048xbf16, #tpu.memory_space<vmem>>, vector<1x512x2048xbf16>
    %get3A_89 = vector.shape_cast %get3A_88 : vector<1x512x2048xbf16> to vector<512x2048xbf16>
    %get3A_90 = arith.constant 0 : index
    %get3A_91 = arith.constant 0 : index
    %get3A_92 = arith.constant 0 : index
    %get3A_93 = vector.load %arg6[%get3A_90, %get3A_91, %get3A_92] : memref<1x512x2048xbf16, #tpu.memory_space<vmem>>, vector<1x512x2048xbf16>
    %get3A_94 = vector.shape_cast %get3A_93 : vector<1x512x2048xbf16> to vector<512x2048xbf16>
    %get3A_95 = arith.constant 0 : index
    %get3A_96 = arith.constant 0 : index
    %get3A_97 = arith.constant 0 : index
    %get3A_98 = vector.load %arg7[%get3A_95, %get3A_96, %get3A_97] : memref<1x512x2048xbf16, #tpu.memory_space<vmem>>, vector<1x512x2048xbf16>
    %get3A_99 = vector.shape_cast %get3A_98 : vector<1x512x2048xbf16> to vector<512x2048xbf16>
    %dot_general3A_100 = arith.constant dense<0.000000e+00> : vector<24x2048xf32>
    %dot_general3A_101 = tpu.matmul %convert_element_type3A_78, %get3A_99, %dot_general3A_100 {dimension_numbers = #tpu.dot_dimension_numbers<[1], [0], [0], [1], [0, 0, 1, 1], [], []>, transpose_lhs_hint = false} : vector<24x512xbf16>, vector<512x2048xbf16>, vector<24x2048xf32> -> vector<24x2048xf32>
    %dot_general3A_102 = arith.constant dense<0.000000e+00> : vector<24x2048xf32>
    %dot_general3A_103 = tpu.matmul %convert_element_type3A_81, %get3A_94, %dot_general3A_102 {dimension_numbers = #tpu.dot_dimension_numbers<[1], [0], [0], [1], [0, 0, 1, 1], [], []>, transpose_lhs_hint = false} : vector<24x512xbf16>, vector<512x2048xbf16>, vector<24x2048xf32> -> vector<24x2048xf32>
    %add3A_104 = arith.addf %dot_general3A_101, %dot_general3A_103 : vector<24x2048xf32>
    %dot_general3A_105 = arith.constant dense<0.000000e+00> : vector<24x2048xf32>
    %dot_general3A_106 = tpu.matmul %convert_element_type3A_84, %get3A_89, %dot_general3A_105 {dimension_numbers = #tpu.dot_dimension_numbers<[1], [0], [0], [1], [0, 0, 1, 1], [], []>, transpose_lhs_hint = false} : vector<24x512xbf16>, vector<512x2048xbf16>, vector<24x2048xf32> -> vector<24x2048xf32>
    %add3A_107 = arith.addf %add3A_104, %dot_general3A_106 : vector<24x2048xf32>
    %dot_general3A_108 = arith.constant dense<0.000000e+00> : vector<24x2048xf32>
    %dot_general3A_109 = tpu.matmul %convert_element_type3A_78, %get3A_94, %dot_general3A_108 {dimension_numbers = #tpu.dot_dimension_numbers<[1], [0], [0], [1], [0, 0, 1, 1], [], []>, transpose_lhs_hint = false} : vector<24x512xbf16>, vector<512x2048xbf16>, vector<24x2048xf32> -> vector<24x2048xf32>
    %dot_general3A_110 = arith.constant dense<0.000000e+00> : vector<24x2048xf32>
    %dot_general3A_111 = tpu.matmul %convert_element_type3A_81, %get3A_89, %dot_general3A_110 {dimension_numbers = #tpu.dot_dimension_numbers<[1], [0], [0], [1], [0, 0, 1, 1], [], []>, transpose_lhs_hint = false} : vector<24x512xbf16>, vector<512x2048xbf16>, vector<24x2048xf32> -> vector<24x2048xf32>
    %add3A_112 = arith.addf %dot_general3A_109, %dot_general3A_111 : vector<24x2048xf32>
    %add3A_113 = arith.addf %add3A_107, %add3A_112 : vector<24x2048xf32>
    %dot_general3A_114 = arith.constant dense<0.000000e+00> : vector<24x2048xf32>
    %dot_general3A_115 = tpu.matmul %convert_element_type3A_78, %get3A_89, %dot_general3A_114 {dimension_numbers = #tpu.dot_dimension_numbers<[1], [0], [0], [1], [0, 0, 1, 1], [], []>, transpose_lhs_hint = false} : vector<24x512xbf16>, vector<512x2048xbf16>, vector<24x2048xf32> -> vector<24x2048xf32>
    %add3A_116 = arith.addf %add3A_113, %dot_general3A_115 : vector<24x2048xf32>
    %add3A_117 = arith.addf %get3A_77, %add3A_116 : vector<24x2048xf32>
    %swap3A = arith.constant 0 : index
    %swap3A_118 = arith.constant 0 : index
    %swap3A_119 = vector.load %arg10[%swap3A, %swap3A_118] : memref<24x2048xf32, #tpu.memory_space<vmem>>, vector<24x2048xf32>
    tpu.vector_store %arg10[%swap3A, %swap3A_118], %add3A_117 {strides = array<i32>} : memref<24x2048xf32, #tpu.memory_space<vmem>>, vector<24x2048xf32>,
    %eq3A_120 = arith.constant 7 : i32
    %eq3A_121 = arith.cmpi eq, %arg0, %eq3A_120 : i32
    %convert_element_type3A_122 = arith.extui %eq3A_121 : i1 to i32
    %cond3A_123 = arith.constant 0 : i32
    %cond3A_124 = arith.cmpi ne, %convert_element_type3A_122, %cond3A_123 : i32
    scf.if %cond3A_124 {
      %get3A_125 = arith.constant 0 : index
      %get3A_126 = arith.constant 0 : index
      %get3A_127 = vector.load %arg10[%get3A_125, %get3A_126] : memref<24x2048xf32, #tpu.memory_space<vmem>>, vector<24x2048xf32>
      %mul3A_128 = arith.constant 1.19267526E-7 : f32
      %mul3A_129 = vector.broadcast %mul3A_128 : f32 to vector<24x2048xf32>
      %mul3A_130 = arith.mulf %get3A_127, %mul3A_129 : vector<24x2048xf32>
      %iota3A_131 = tpu.iota {dimensions = array<i32: 1>} : vector<24x2048xi32>
      %reduce_max3A = arith.constant dense<0xFF800000> : vector<24xf32>
      %reduce_max3A_132 = vector.multi_reduction <maximumf>, %mul3A_130, %reduce_max3A [1] : vector<24x2048xf32> to vector<24xf32>
      %broadcast_in_dim3A_133 = vector.shape_cast %reduce_max3A_132 : vector<24xf32> to vector<24x1xf32>
      %eq3A_134 = vector.broadcast %broadcast_in_dim3A_133 : vector<24x1xf32> to vector<24x2048xf32>
      %eq3A_135 = arith.cmpf oeq, %mul3A_130, %eq3A_134 : vector<24x2048xf32>
      %jit3A_136 = arith.constant 2048 : i32
      %broadcast_in_dim3A_137 = vector.broadcast %jit3A_136 : i32 to vector<24x2048xi32>
      %select_n3A_138 = arith.select %eq3A_135, %iota3A_131, %broadcast_in_dim3A_137 : vector<24x2048xi1>, vector<24x2048xi32>
      %reduce_min3A = arith.constant dense<2147483647> : vector<24xi32>
      %reduce_min3A_139 = vector.multi_reduction <minsi>, %select_n3A_138, %reduce_min3A [1] : vector<24x2048xi32> to vector<24xi32>
      %broadcast_in_dim3A_140 = vector.shape_cast %reduce_min3A_139 : vector<24xi32> to vector<24x1xi32>
      %eq3A_141 = vector.broadcast %broadcast_in_dim3A_140 : vector<24x1xi32> to vector<24x2048xi32>
      %eq3A_142 = arith.cmpi eq, %iota3A_131, %eq3A_141 : vector<24x2048xi32>
      %jit3A_143 = arith.constant 0xFF800000 : f32
      %broadcast_in_dim3A_144 = vector.broadcast %jit3A_143 : f32 to vector<24x2048xf32>
      %select_n3A_145 = arith.select %eq3A_142, %broadcast_in_dim3A_144, %mul3A_130 : vector<24x2048xi1>, vector<24x2048xf32>
      %reduce_max3A_146 = arith.constant dense<0xFF800000> : vector<24xf32>
      %reduce_max3A_147 = vector.multi_reduction <maximumf>, %select_n3A_145, %reduce_max3A_146 [1] : vector<24x2048xf32> to vector<24xf32>
      %broadcast_in_dim3A_148 = vector.shape_cast %reduce_max3A_147 : vector<24xf32> to vector<24x1xf32>
      %eq3A_149 = vector.broadcast %broadcast_in_dim3A_148 : vector<24x1xf32> to vector<24x2048xf32>
      %eq3A_150 = arith.cmpf oeq, %select_n3A_145, %eq3A_149 : vector<24x2048xf32>
      %jit3A_151 = arith.constant 2048 : i32
      %broadcast_in_dim3A_152 = vector.broadcast %jit3A_151 : i32 to vector<24x2048xi32>
      %select_n3A_153 = arith.select %eq3A_150, %iota3A_131, %broadcast_in_dim3A_152 : vector<24x2048xi1>, vector<24x2048xi32>
      %reduce_min3A_154 = arith.constant dense<2147483647> : vector<24xi32>
      %reduce_min3A_155 = vector.multi_reduction <minsi>, %select_n3A_153, %reduce_min3A_154 [1] : vector<24x2048xi32> to vector<24xi32>
      %broadcast_in_dim3A_156 = vector.shape_cast %reduce_min3A_155 : vector<24xi32> to vector<24x1xi32>
      %eq3A_157 = vector.broadcast %broadcast_in_dim3A_156 : vector<24x1xi32> to vector<24x2048xi32>
      %eq3A_158 = arith.cmpi eq, %iota3A_131, %eq3A_157 : vector<24x2048xi32>
      %jit3A_159 = arith.constant 0xFF800000 : f32
      %broadcast_in_dim3A_160 = vector.broadcast %jit3A_159 : f32 to vector<24x2048xf32>
      %select_n3A_161 = arith.select %eq3A_158, %broadcast_in_dim3A_160, %select_n3A_145 : vector<24x2048xi1>, vector<24x2048xf32>
      %reduce_max3A_162 = arith.constant dense<0xFF800000> : vector<24xf32>
      %reduce_max3A_163 = vector.multi_reduction <maximumf>, %select_n3A_161, %reduce_max3A_162 [1] : vector<24x2048xf32> to vector<24xf32>
      %broadcast_in_dim3A_164 = vector.shape_cast %reduce_max3A_163 : vector<24xf32> to vector<24x1xf32>
      %eq3A_165 = vector.broadcast %broadcast_in_dim3A_164 : vector<24x1xf32> to vector<24x2048xf32>
      %eq3A_166 = arith.cmpf oeq, %select_n3A_161, %eq3A_165 : vector<24x2048xf32>
      %jit3A_167 = arith.constant 2048 : i32
      %broadcast_in_dim3A_168 = vector.broadcast %jit3A_167 : i32 to vector<24x2048xi32>
      %select_n3A_169 = arith.select %eq3A_166, %iota3A_131, %broadcast_in_dim3A_168 : vector<24x2048xi1>, vector<24x2048xi32>
      %reduce_min3A_170 = arith.constant dense<2147483647> : vector<24xi32>
      %reduce_min3A_171 = vector.multi_reduction <minsi>, %select_n3A_169, %reduce_min3A_170 [1] : vector<24x2048xi32> to vector<24xi32>
      %broadcast_in_dim3A_172 = vector.shape_cast %reduce_min3A_171 : vector<24xi32> to vector<24x1xi32>
      %eq3A_173 = vector.broadcast %broadcast_in_dim3A_172 : vector<24x1xi32> to vector<24x2048xi32>
      %eq3A_174 = arith.cmpi eq, %iota3A_131, %eq3A_173 : vector<24x2048xi32>
      %jit3A_175 = arith.constant 0xFF800000 : f32
      %broadcast_in_dim3A_176 = vector.broadcast %jit3A_175 : f32 to vector<24x2048xf32>
      %select_n3A_177 = arith.select %eq3A_174, %broadcast_in_dim3A_176, %select_n3A_161 : vector<24x2048xi1>, vector<24x2048xf32>
      %reduce_max3A_178 = arith.constant dense<0xFF800000> : vector<24xf32>
      %reduce_max3A_179 = vector.multi_reduction <maximumf>, %select_n3A_177, %reduce_max3A_178 [1] : vector<24x2048xf32> to vector<24xf32>
      %broadcast_in_dim3A_180 = vector.shape_cast %reduce_max3A_179 : vector<24xf32> to vector<24x1xf32>
      %eq3A_181 = vector.broadcast %broadcast_in_dim3A_180 : vector<24x1xf32> to vector<24x2048xf32>
      %eq3A_182 = arith.cmpf oeq, %select_n3A_177, %eq3A_181 : vector<24x2048xf32>
      %jit3A_183 = arith.constant 2048 : i32
      %broadcast_in_dim3A_184 = vector.broadcast %jit3A_183 : i32 to vector<24x2048xi32>
      %select_n3A_185 = arith.select %eq3A_182, %iota3A_131, %broadcast_in_dim3A_184 : vector<24x2048xi1>, vector<24x2048xi32>
      %reduce_min3A_186 = arith.constant dense<2147483647> : vector<24xi32>
      %reduce_min3A_187 = vector.multi_reduction <minsi>, %select_n3A_185, %reduce_min3A_186 [1] : vector<24x2048xi32> to vector<24xi32>
      %broadcast_in_dim3A_188 = vector.shape_cast %reduce_min3A_187 : vector<24xi32> to vector<24x1xi32>
      %eq3A_189 = vector.broadcast %broadcast_in_dim3A_188 : vector<24x1xi32> to vector<24x2048xi32>
      %eq3A_190 = arith.cmpi eq, %iota3A_131, %eq3A_189 : vector<24x2048xi32>
      %jit3A_191 = arith.constant 0xFF800000 : f32
      %broadcast_in_dim3A_192 = vector.broadcast %jit3A_191 : f32 to vector<24x2048xf32>
      %select_n3A_193 = arith.select %eq3A_190, %broadcast_in_dim3A_192, %select_n3A_177 : vector<24x2048xi1>, vector<24x2048xf32>
      %reduce_max3A_194 = arith.constant dense<0xFF800000> : vector<24xf32>
      %reduce_max3A_195 = vector.multi_reduction <maximumf>, %select_n3A_193, %reduce_max3A_194 [1] : vector<24x2048xf32> to vector<24xf32>
      %broadcast_in_dim3A_196 = vector.shape_cast %reduce_max3A_195 : vector<24xf32> to vector<24x1xf32>
      %eq3A_197 = vector.broadcast %broadcast_in_dim3A_196 : vector<24x1xf32> to vector<24x2048xf32>
      %eq3A_198 = arith.cmpf oeq, %select_n3A_193, %eq3A_197 : vector<24x2048xf32>
      %jit3A_199 = arith.constant 2048 : i32
      %broadcast_in_dim3A_200 = vector.broadcast %jit3A_199 : i32 to vector<24x2048xi32>
      %select_n3A_201 = arith.select %eq3A_198, %iota3A_131, %broadcast_in_dim3A_200 : vector<24x2048xi1>, vector<24x2048xi32>
      %reduce_min3A_202 = arith.constant dense<2147483647> : vector<24xi32>
      %reduce_min3A_203 = vector.multi_reduction <minsi>, %select_n3A_201, %reduce_min3A_202 [1] : vector<24x2048xi32> to vector<24xi32>
      %broadcast_in_dim3A_204 = vector.shape_cast %reduce_min3A_203 : vector<24xi32> to vector<24x1xi32>
      %eq3A_205 = vector.broadcast %broadcast_in_dim3A_204 : vector<24x1xi32> to vector<24x2048xi32>
      %eq3A_206 = arith.cmpi eq, %iota3A_131, %eq3A_205 : vector<24x2048xi32>
      %jit3A_207 = arith.constant 0xFF800000 : f32
      %broadcast_in_dim3A_208 = vector.broadcast %jit3A_207 : f32 to vector<24x2048xf32>
      %select_n3A_209 = arith.select %eq3A_206, %broadcast_in_dim3A_208, %select_n3A_193 : vector<24x2048xi1>, vector<24x2048xf32>
      %reduce_max3A_210 = arith.constant dense<0xFF800000> : vector<24xf32>
      %reduce_max3A_211 = vector.multi_reduction <maximumf>, %select_n3A_209, %reduce_max3A_210 [1] : vector<24x2048xf32> to vector<24xf32>
      %broadcast_in_dim3A_212 = vector.shape_cast %reduce_max3A_211 : vector<24xf32> to vector<24x1xf32>
      %eq3A_213 = vector.broadcast %broadcast_in_dim3A_212 : vector<24x1xf32> to vector<24x2048xf32>
      %eq3A_214 = arith.cmpf oeq, %select_n3A_209, %eq3A_213 : vector<24x2048xf32>
      %jit3A_215 = arith.constant 2048 : i32
      %broadcast_in_dim3A_216 = vector.broadcast %jit3A_215 : i32 to vector<24x2048xi32>
      %select_n3A_217 = arith.select %eq3A_214, %iota3A_131, %broadcast_in_dim3A_216 : vector<24x2048xi1>, vector<24x2048xi32>
      %reduce_min3A_218 = arith.constant dense<2147483647> : vector<24xi32>
      %reduce_min3A_219 = vector.multi_reduction <minsi>, %select_n3A_217, %reduce_min3A_218 [1] : vector<24x2048xi32> to vector<24xi32>
      %broadcast_in_dim3A_220 = vector.shape_cast %reduce_min3A_219 : vector<24xi32> to vector<24x1xi32>
      %eq3A_221 = vector.broadcast %broadcast_in_dim3A_220 : vector<24x1xi32> to vector<24x2048xi32>
      %eq3A_222 = arith.cmpi eq, %iota3A_131, %eq3A_221 : vector<24x2048xi32>
      %jit3A_223 = arith.constant 0xFF800000 : f32
      %broadcast_in_dim3A_224 = vector.broadcast %jit3A_223 : f32 to vector<24x2048xf32>
      %select_n3A_225 = arith.select %eq3A_222, %broadcast_in_dim3A_224, %select_n3A_209 : vector<24x2048xi1>, vector<24x2048xf32>
      %reduce_max3A_226 = arith.constant dense<0xFF800000> : vector<24xf32>
      %reduce_max3A_227 = vector.multi_reduction <maximumf>, %select_n3A_225, %reduce_max3A_226 [1] : vector<24x2048xf32> to vector<24xf32>
      %broadcast_in_dim3A_228 = vector.shape_cast %reduce_max3A_227 : vector<24xf32> to vector<24x1xf32>
      %eq3A_229 = vector.broadcast %broadcast_in_dim3A_228 : vector<24x1xf32> to vector<24x2048xf32>
      %eq3A_230 = arith.cmpf oeq, %select_n3A_225, %eq3A_229 : vector<24x2048xf32>
      %jit3A_231 = arith.constant 2048 : i32
      %broadcast_in_dim3A_232 = vector.broadcast %jit3A_231 : i32 to vector<24x2048xi32>
      %select_n3A_233 = arith.select %eq3A_230, %iota3A_131, %broadcast_in_dim3A_232 : vector<24x2048xi1>, vector<24x2048xi32>
      %reduce_min3A_234 = arith.constant dense<2147483647> : vector<24xi32>
      %reduce_min3A_235 = vector.multi_reduction <minsi>, %select_n3A_233, %reduce_min3A_234 [1] : vector<24x2048xi32> to vector<24xi32>
      %broadcast_in_dim3A_236 = vector.shape_cast %reduce_min3A_235 : vector<24xi32> to vector<24x1xi32>
      %eq3A_237 = vector.broadcast %broadcast_in_dim3A_236 : vector<24x1xi32> to vector<24x2048xi32>
      %eq3A_238 = arith.cmpi eq, %iota3A_131, %eq3A_237 : vector<24x2048xi32>
      %jit3A_239 = arith.constant 0xFF800000 : f32
      %broadcast_in_dim3A_240 = vector.broadcast %jit3A_239 : f32 to vector<24x2048xf32>
      %select_n3A_241 = arith.select %eq3A_238, %broadcast_in_dim3A_240, %select_n3A_225 : vector<24x2048xi1>, vector<24x2048xf32>
      %reduce_max3A_242 = arith.constant dense<0xFF800000> : vector<24xf32>
      %reduce_max3A_243 = vector.multi_reduction <maximumf>, %select_n3A_241, %reduce_max3A_242 [1] : vector<24x2048xf32> to vector<24xf32>
      %broadcast_in_dim3A_244 = vector.shape_cast %reduce_max3A_243 : vector<24xf32> to vector<24x1xf32>
      %eq3A_245 = vector.broadcast %broadcast_in_dim3A_244 : vector<24x1xf32> to vector<24x2048xf32>
      %eq3A_246 = arith.cmpf oeq, %select_n3A_241, %eq3A_245 : vector<24x2048xf32>
      %jit3A_247 = arith.constant 2048 : i32
      %broadcast_in_dim3A_248 = vector.broadcast %jit3A_247 : i32 to vector<24x2048xi32>
      %select_n3A_249 = arith.select %eq3A_246, %iota3A_131, %broadcast_in_dim3A_248 : vector<24x2048xi1>, vector<24x2048xi32>
      %reduce_min3A_250 = arith.constant dense<2147483647> : vector<24xi32>
      %reduce_min3A_251 = vector.multi_reduction <minsi>, %select_n3A_249, %reduce_min3A_250 [1] : vector<24x2048xi32> to vector<24xi32>
      %broadcast_in_dim3A_252 = vector.shape_cast %reduce_min3A_251 : vector<24xi32> to vector<24x1xi32>
      %eq3A_253 = vector.broadcast %broadcast_in_dim3A_252 : vector<24x1xi32> to vector<24x2048xi32>
      %eq3A_254 = arith.cmpi eq, %iota3A_131, %eq3A_253 : vector<24x2048xi32>
      %jit3A_255 = arith.constant 0xFF800000 : f32
      %broadcast_in_dim3A_256 = vector.broadcast %jit3A_255 : f32 to vector<24x2048xf32>
      %select_n3A_257 = arith.select %eq3A_254, %broadcast_in_dim3A_256, %select_n3A_241 : vector<24x2048xi1>, vector<24x2048xf32>
      %reduce_max3A_258 = arith.constant dense<0xFF800000> : vector<24xf32>
      %reduce_max3A_259 = vector.multi_reduction <maximumf>, %select_n3A_257, %reduce_max3A_258 [1] : vector<24x2048xf32> to vector<24xf32>
      %broadcast_in_dim3A_260 = vector.shape_cast %reduce_max3A_259 : vector<24xf32> to vector<24x1xf32>
      %eq3A_261 = vector.broadcast %broadcast_in_dim3A_260 : vector<24x1xf32> to vector<24x2048xf32>
      %eq3A_262 = arith.cmpf oeq, %select_n3A_257, %eq3A_261 : vector<24x2048xf32>
      %jit3A_263 = arith.constant 2048 : i32
      %broadcast_in_dim3A_264 = vector.broadcast %jit3A_263 : i32 to vector<24x2048xi32>
      %select_n3A_265 = arith.select %eq3A_262, %iota3A_131, %broadcast_in_dim3A_264 : vector<24x2048xi1>, vector<24x2048xi32>
      %reduce_min3A_266 = arith.constant dense<2147483647> : vector<24xi32>
      %reduce_min3A_267 = vector.multi_reduction <minsi>, %select_n3A_265, %reduce_min3A_266 [1] : vector<24x2048xi32> to vector<24xi32>
      %broadcast_in_dim3A_268 = vector.shape_cast %reduce_min3A_267 : vector<24xi32> to vector<24x1xi32>
      %eq3A_269 = vector.broadcast %broadcast_in_dim3A_268 : vector<24x1xi32> to vector<24x2048xi32>
      %eq3A_270 = arith.cmpi eq, %iota3A_131, %eq3A_269 : vector<24x2048xi32>
      %jit3A_271 = arith.constant 0xFF800000 : f32
      %broadcast_in_dim3A_272 = vector.broadcast %jit3A_271 : f32 to vector<24x2048xf32>
      %select_n3A_273 = arith.select %eq3A_270, %broadcast_in_dim3A_272, %select_n3A_257 : vector<24x2048xi1>, vector<24x2048xf32>
      %reduce_max3A_274 = arith.constant dense<0xFF800000> : vector<24xf32>
      %reduce_max3A_275 = vector.multi_reduction <maximumf>, %select_n3A_273, %reduce_max3A_274 [1] : vector<24x2048xf32> to vector<24xf32>
      %broadcast_in_dim3A_276 = vector.shape_cast %reduce_max3A_275 : vector<24xf32> to vector<24x1xf32>
      %eq3A_277 = vector.broadcast %broadcast_in_dim3A_276 : vector<24x1xf32> to vector<24x2048xf32>
      %eq3A_278 = arith.cmpf oeq, %select_n3A_273, %eq3A_277 : vector<24x2048xf32>
      %jit3A_279 = arith.constant 2048 : i32
      %broadcast_in_dim3A_280 = vector.broadcast %jit3A_279 : i32 to vector<24x2048xi32>
      %select_n3A_281 = arith.select %eq3A_278, %iota3A_131, %broadcast_in_dim3A_280 : vector<24x2048xi1>, vector<24x2048xi32>
      %reduce_min3A_282 = arith.constant dense<2147483647> : vector<24xi32>
      %reduce_min3A_283 = vector.multi_reduction <minsi>, %select_n3A_281, %reduce_min3A_282 [1] : vector<24x2048xi32> to vector<24xi32>
      %broadcast_in_dim3A_284 = vector.shape_cast %reduce_min3A_283 : vector<24xi32> to vector<24x1xi32>
      %eq3A_285 = vector.broadcast %broadcast_in_dim3A_284 : vector<24x1xi32> to vector<24x2048xi32>
      %eq3A_286 = arith.cmpi eq, %iota3A_131, %eq3A_285 : vector<24x2048xi32>
      %jit3A_287 = arith.constant 0xFF800000 : f32
      %broadcast_in_dim3A_288 = vector.broadcast %jit3A_287 : f32 to vector<24x2048xf32>
      %select_n3A_289 = arith.select %eq3A_286, %broadcast_in_dim3A_288, %select_n3A_273 : vector<24x2048xi1>, vector<24x2048xf32>
      %reduce_max3A_290 = arith.constant dense<0xFF800000> : vector<24xf32>
      %reduce_max3A_291 = vector.multi_reduction <maximumf>, %select_n3A_289, %reduce_max3A_290 [1] : vector<24x2048xf32> to vector<24xf32>
      %broadcast_in_dim3A_292 = vector.shape_cast %reduce_max3A_291 : vector<24xf32> to vector<24x1xf32>
      %eq3A_293 = vector.broadcast %broadcast_in_dim3A_292 : vector<24x1xf32> to vector<24x2048xf32>
      %eq3A_294 = arith.cmpf oeq, %select_n3A_289, %eq3A_293 : vector<24x2048xf32>
      %jit3A_295 = arith.constant 2048 : i32
      %broadcast_in_dim3A_296 = vector.broadcast %jit3A_295 : i32 to vector<24x2048xi32>
      %select_n3A_297 = arith.select %eq3A_294, %iota3A_131, %broadcast_in_dim3A_296 : vector<24x2048xi1>, vector<24x2048xi32>
      %reduce_min3A_298 = arith.constant dense<2147483647> : vector<24xi32>
      %reduce_min3A_299 = vector.multi_reduction <minsi>, %select_n3A_297, %reduce_min3A_298 [1] : vector<24x2048xi32> to vector<24xi32>
      %broadcast_in_dim3A_300 = vector.shape_cast %reduce_min3A_299 : vector<24xi32> to vector<24x1xi32>
      %eq3A_301 = vector.broadcast %broadcast_in_dim3A_300 : vector<24x1xi32> to vector<24x2048xi32>
      %eq3A_302 = arith.cmpi eq, %iota3A_131, %eq3A_301 : vector<24x2048xi32>
      %jit3A_303 = arith.constant 0xFF800000 : f32
      %broadcast_in_dim3A_304 = vector.broadcast %jit3A_303 : f32 to vector<24x2048xf32>
      %select_n3A_305 = arith.select %eq3A_302, %broadcast_in_dim3A_304, %select_n3A_289 : vector<24x2048xi1>, vector<24x2048xf32>
      %reduce_max3A_306 = arith.constant dense<0xFF800000> : vector<24xf32>
      %reduce_max3A_307 = vector.multi_reduction <maximumf>, %select_n3A_305, %reduce_max3A_306 [1] : vector<24x2048xf32> to vector<24xf32>
      %broadcast_in_dim3A_308 = vector.shape_cast %reduce_max3A_307 : vector<24xf32> to vector<24x1xf32>
      %eq3A_309 = vector.broadcast %broadcast_in_dim3A_308 : vector<24x1xf32> to vector<24x2048xf32>
      %eq3A_310 = arith.cmpf oeq, %select_n3A_305, %eq3A_309 : vector<24x2048xf32>
      %jit3A_311 = arith.constant 2048 : i32
      %broadcast_in_dim3A_312 = vector.broadcast %jit3A_311 : i32 to vector<24x2048xi32>
      %select_n3A_313 = arith.select %eq3A_310, %iota3A_131, %broadcast_in_dim3A_312 : vector<24x2048xi1>, vector<24x2048xi32>
      %reduce_min3A_314 = arith.constant dense<2147483647> : vector<24xi32>
      %reduce_min3A_315 = vector.multi_reduction <minsi>, %select_n3A_313, %reduce_min3A_314 [1] : vector<24x2048xi32> to vector<24xi32>
      %broadcast_in_dim3A_316 = vector.shape_cast %reduce_min3A_315 : vector<24xi32> to vector<24x1xi32>
      %eq3A_317 = vector.broadcast %broadcast_in_dim3A_316 : vector<24x1xi32> to vector<24x2048xi32>
      %eq3A_318 = arith.cmpi eq, %iota3A_131, %eq3A_317 : vector<24x2048xi32>
      %jit3A_319 = arith.constant 0xFF800000 : f32
      %broadcast_in_dim3A_320 = vector.broadcast %jit3A_319 : f32 to vector<24x2048xf32>
      %select_n3A_321 = arith.select %eq3A_318, %broadcast_in_dim3A_320, %select_n3A_305 : vector<24x2048xi1>, vector<24x2048xf32>
      %reduce_max3A_322 = arith.constant dense<0xFF800000> : vector<24xf32>
      %reduce_max3A_323 = vector.multi_reduction <maximumf>, %select_n3A_321, %reduce_max3A_322 [1] : vector<24x2048xf32> to vector<24xf32>
      %broadcast_in_dim3A_324 = vector.shape_cast %reduce_max3A_323 : vector<24xf32> to vector<24x1xf32>
      %eq3A_325 = vector.broadcast %broadcast_in_dim3A_324 : vector<24x1xf32> to vector<24x2048xf32>
      %eq3A_326 = arith.cmpf oeq, %select_n3A_321, %eq3A_325 : vector<24x2048xf32>
      %jit3A_327 = arith.constant 2048 : i32
      %broadcast_in_dim3A_328 = vector.broadcast %jit3A_327 : i32 to vector<24x2048xi32>
      %select_n3A_329 = arith.select %eq3A_326, %iota3A_131, %broadcast_in_dim3A_328 : vector<24x2048xi1>, vector<24x2048xi32>
      %reduce_min3A_330 = arith.constant dense<2147483647> : vector<24xi32>
      %reduce_min3A_331 = vector.multi_reduction <minsi>, %select_n3A_329, %reduce_min3A_330 [1] : vector<24x2048xi32> to vector<24xi32>
      %broadcast_in_dim3A_332 = vector.shape_cast %reduce_min3A_331 : vector<24xi32> to vector<24x1xi32>
      %eq3A_333 = vector.broadcast %broadcast_in_dim3A_332 : vector<24x1xi32> to vector<24x2048xi32>
      %eq3A_334 = arith.cmpi eq, %iota3A_131, %eq3A_333 : vector<24x2048xi32>
      %jit3A_335 = arith.constant 0xFF800000 : f32
      %broadcast_in_dim3A_336 = vector.broadcast %jit3A_335 : f32 to vector<24x2048xf32>
      %select_n3A_337 = arith.select %eq3A_334, %broadcast_in_dim3A_336, %select_n3A_321 : vector<24x2048xi1>, vector<24x2048xf32>
      %reduce_max3A_338 = arith.constant dense<0xFF800000> : vector<24xf32>
      %reduce_max3A_339 = vector.multi_reduction <maximumf>, %select_n3A_337, %reduce_max3A_338 [1] : vector<24x2048xf32> to vector<24xf32>
      %broadcast_in_dim3A_340 = vector.shape_cast %reduce_max3A_339 : vector<24xf32> to vector<24x1xf32>
      %eq3A_341 = vector.broadcast %broadcast_in_dim3A_340 : vector<24x1xf32> to vector<24x2048xf32>
      %eq3A_342 = arith.cmpf oeq, %select_n3A_337, %eq3A_341 : vector<24x2048xf32>
      %jit3A_343 = arith.constant 2048 : i32
      %broadcast_in_dim3A_344 = vector.broadcast %jit3A_343 : i32 to vector<24x2048xi32>
      %select_n3A_345 = arith.select %eq3A_342, %iota3A_131, %broadcast_in_dim3A_344 : vector<24x2048xi1>, vector<24x2048xi32>
      %reduce_min3A_346 = arith.constant dense<2147483647> : vector<24xi32>
      %reduce_min3A_347 = vector.multi_reduction <minsi>, %select_n3A_345, %reduce_min3A_346 [1] : vector<24x2048xi32> to vector<24xi32>
      %broadcast_in_dim3A_348 = vector.shape_cast %reduce_min3A_347 : vector<24xi32> to vector<24x1xi32>
      %eq3A_349 = vector.broadcast %broadcast_in_dim3A_348 : vector<24x1xi32> to vector<24x2048xi32>
      %eq3A_350 = arith.cmpi eq, %iota3A_131, %eq3A_349 : vector<24x2048xi32>
      %jit3A_351 = arith.constant 0xFF800000 : f32
      %broadcast_in_dim3A_352 = vector.broadcast %jit3A_351 : f32 to vector<24x2048xf32>
      %select_n3A_353 = arith.select %eq3A_350, %broadcast_in_dim3A_352, %select_n3A_337 : vector<24x2048xi1>, vector<24x2048xf32>
      %reduce_max3A_354 = arith.constant dense<0xFF800000> : vector<24xf32>
      %reduce_max3A_355 = vector.multi_reduction <maximumf>, %select_n3A_353, %reduce_max3A_354 [1] : vector<24x2048xf32> to vector<24xf32>
      %broadcast_in_dim3A_356 = vector.shape_cast %reduce_max3A_355 : vector<24xf32> to vector<24x1xf32>
      %eq3A_357 = vector.broadcast %broadcast_in_dim3A_356 : vector<24x1xf32> to vector<24x2048xf32>
      %eq3A_358 = arith.cmpf oeq, %select_n3A_353, %eq3A_357 : vector<24x2048xf32>
      %jit3A_359 = arith.constant 2048 : i32
      %broadcast_in_dim3A_360 = vector.broadcast %jit3A_359 : i32 to vector<24x2048xi32>
      %select_n3A_361 = arith.select %eq3A_358, %iota3A_131, %broadcast_in_dim3A_360 : vector<24x2048xi1>, vector<24x2048xi32>
      %reduce_min3A_362 = arith.constant dense<2147483647> : vector<24xi32>
      %reduce_min3A_363 = vector.multi_reduction <minsi>, %select_n3A_361, %reduce_min3A_362 [1] : vector<24x2048xi32> to vector<24xi32>
      %broadcast_in_dim3A_364 = vector.shape_cast %reduce_min3A_363 : vector<24xi32> to vector<24x1xi32>
      %eq3A_365 = vector.broadcast %broadcast_in_dim3A_364 : vector<24x1xi32> to vector<24x2048xi32>
      %eq3A_366 = arith.cmpi eq, %iota3A_131, %eq3A_365 : vector<24x2048xi32>
      %jit3A_367 = arith.constant 0xFF800000 : f32
      %broadcast_in_dim3A_368 = vector.broadcast %jit3A_367 : f32 to vector<24x2048xf32>
      %select_n3A_369 = arith.select %eq3A_366, %broadcast_in_dim3A_368, %select_n3A_353 : vector<24x2048xi1>, vector<24x2048xf32>
      %reduce_max3A_370 = arith.constant dense<0xFF800000> : vector<24xf32>
      %reduce_max3A_371 = vector.multi_reduction <maximumf>, %select_n3A_369, %reduce_max3A_370 [1] : vector<24x2048xf32> to vector<24xf32>
      %broadcast_in_dim3A_372 = vector.shape_cast %reduce_max3A_371 : vector<24xf32> to vector<24x1xf32>
      %eq3A_373 = vector.broadcast %broadcast_in_dim3A_372 : vector<24x1xf32> to vector<24x2048xf32>
      %eq3A_374 = arith.cmpf oeq, %select_n3A_369, %eq3A_373 : vector<24x2048xf32>
      %jit3A_375 = arith.constant 2048 : i32
      %broadcast_in_dim3A_376 = vector.broadcast %jit3A_375 : i32 to vector<24x2048xi32>
      %select_n3A_377 = arith.select %eq3A_374, %iota3A_131, %broadcast_in_dim3A_376 : vector<24x2048xi1>, vector<24x2048xi32>
      %reduce_min3A_378 = arith.constant dense<2147483647> : vector<24xi32>
      %reduce_min3A_379 = vector.multi_reduction <minsi>, %select_n3A_377, %reduce_min3A_378 [1] : vector<24x2048xi32> to vector<24xi32>
      %broadcast_in_dim3A_380 = vector.shape_cast %reduce_min3A_379 : vector<24xi32> to vector<24x1xi32>
      %eq3A_381 = vector.broadcast %broadcast_in_dim3A_380 : vector<24x1xi32> to vector<24x2048xi32>
      %eq3A_382 = arith.cmpi eq, %iota3A_131, %eq3A_381 : vector<24x2048xi32>
      %jit3A_383 = arith.constant 0xFF800000 : f32
      %broadcast_in_dim3A_384 = vector.broadcast %jit3A_383 : f32 to vector<24x2048xf32>
      %select_n3A_385 = arith.select %eq3A_382, %broadcast_in_dim3A_384, %select_n3A_369 : vector<24x2048xi1>, vector<24x2048xf32>
      %reduce_max3A_386 = arith.constant dense<0xFF800000> : vector<24xf32>
      %reduce_max3A_387 = vector.multi_reduction <maximumf>, %select_n3A_385, %reduce_max3A_386 [1] : vector<24x2048xf32> to vector<24xf32>
      %broadcast_in_dim3A_388 = vector.shape_cast %reduce_max3A_387 : vector<24xf32> to vector<24x1xf32>
      %eq3A_389 = vector.broadcast %broadcast_in_dim3A_388 : vector<24x1xf32> to vector<24x2048xf32>
      %eq3A_390 = arith.cmpf oeq, %select_n3A_385, %eq3A_389 : vector<24x2048xf32>
      %jit3A_391 = arith.constant 2048 : i32
      %broadcast_in_dim3A_392 = vector.broadcast %jit3A_391 : i32 to vector<24x2048xi32>
      %select_n3A_393 = arith.select %eq3A_390, %iota3A_131, %broadcast_in_dim3A_392 : vector<24x2048xi1>, vector<24x2048xi32>
      %reduce_min3A_394 = arith.constant dense<2147483647> : vector<24xi32>
      %reduce_min3A_395 = vector.multi_reduction <minsi>, %select_n3A_393, %reduce_min3A_394 [1] : vector<24x2048xi32> to vector<24xi32>
      %broadcast_in_dim3A_396 = vector.shape_cast %reduce_min3A_395 : vector<24xi32> to vector<24x1xi32>
      %eq3A_397 = vector.broadcast %broadcast_in_dim3A_396 : vector<24x1xi32> to vector<24x2048xi32>
      %eq3A_398 = arith.cmpi eq, %iota3A_131, %eq3A_397 : vector<24x2048xi32>
      %jit3A_399 = arith.constant 0xFF800000 : f32
      %broadcast_in_dim3A_400 = vector.broadcast %jit3A_399 : f32 to vector<24x2048xf32>
      %select_n3A_401 = arith.select %eq3A_398, %broadcast_in_dim3A_400, %select_n3A_385 : vector<24x2048xi1>, vector<24x2048xf32>
      %reduce_max3A_402 = arith.constant dense<0xFF800000> : vector<24xf32>
      %reduce_max3A_403 = vector.multi_reduction <maximumf>, %select_n3A_401, %reduce_max3A_402 [1] : vector<24x2048xf32> to vector<24xf32>
      %broadcast_in_dim3A_404 = vector.shape_cast %reduce_max3A_403 : vector<24xf32> to vector<24x1xf32>
      %eq3A_405 = vector.broadcast %broadcast_in_dim3A_404 : vector<24x1xf32> to vector<24x2048xf32>
      %eq3A_406 = arith.cmpf oeq, %select_n3A_401, %eq3A_405 : vector<24x2048xf32>
      %jit3A_407 = arith.constant 2048 : i32
      %broadcast_in_dim3A_408 = vector.broadcast %jit3A_407 : i32 to vector<24x2048xi32>
      %select_n3A_409 = arith.select %eq3A_406, %iota3A_131, %broadcast_in_dim3A_408 : vector<24x2048xi1>, vector<24x2048xi32>
      %reduce_min3A_410 = arith.constant dense<2147483647> : vector<24xi32>
      %reduce_min3A_411 = vector.multi_reduction <minsi>, %select_n3A_409, %reduce_min3A_410 [1] : vector<24x2048xi32> to vector<24xi32>
      %broadcast_in_dim3A_412 = vector.shape_cast %reduce_min3A_411 : vector<24xi32> to vector<24x1xi32>
      %eq3A_413 = vector.broadcast %broadcast_in_dim3A_412 : vector<24x1xi32> to vector<24x2048xi32>
      %eq3A_414 = arith.cmpi eq, %iota3A_131, %eq3A_413 : vector<24x2048xi32>
      %jit3A_415 = arith.constant 0xFF800000 : f32
      %broadcast_in_dim3A_416 = vector.broadcast %jit3A_415 : f32 to vector<24x2048xf32>
      %select_n3A_417 = arith.select %eq3A_414, %broadcast_in_dim3A_416, %select_n3A_401 : vector<24x2048xi1>, vector<24x2048xf32>
      %reduce_max3A_418 = arith.constant dense<0xFF800000> : vector<24xf32>
      %reduce_max3A_419 = vector.multi_reduction <maximumf>, %select_n3A_417, %reduce_max3A_418 [1] : vector<24x2048xf32> to vector<24xf32>
      %broadcast_in_dim3A_420 = vector.shape_cast %reduce_max3A_419 : vector<24xf32> to vector<24x1xf32>
      %eq3A_421 = vector.broadcast %broadcast_in_dim3A_420 : vector<24x1xf32> to vector<24x2048xf32>
      %eq3A_422 = arith.cmpf oeq, %select_n3A_417, %eq3A_421 : vector<24x2048xf32>
      %jit3A_423 = arith.constant 2048 : i32
      %broadcast_in_dim3A_424 = vector.broadcast %jit3A_423 : i32 to vector<24x2048xi32>
      %select_n3A_425 = arith.select %eq3A_422, %iota3A_131, %broadcast_in_dim3A_424 : vector<24x2048xi1>, vector<24x2048xi32>
      %reduce_min3A_426 = arith.constant dense<2147483647> : vector<24xi32>
      %reduce_min3A_427 = vector.multi_reduction <minsi>, %select_n3A_425, %reduce_min3A_426 [1] : vector<24x2048xi32> to vector<24xi32>
      %broadcast_in_dim3A_428 = vector.shape_cast %reduce_min3A_427 : vector<24xi32> to vector<24x1xi32>
      %eq3A_429 = vector.broadcast %broadcast_in_dim3A_428 : vector<24x1xi32> to vector<24x2048xi32>
      %eq3A_430 = arith.cmpi eq, %iota3A_131, %eq3A_429 : vector<24x2048xi32>
      %jit3A_431 = arith.constant 0xFF800000 : f32
      %broadcast_in_dim3A_432 = vector.broadcast %jit3A_431 : f32 to vector<24x2048xf32>
      %select_n3A_433 = arith.select %eq3A_430, %broadcast_in_dim3A_432, %select_n3A_417 : vector<24x2048xi1>, vector<24x2048xf32>
      %reduce_max3A_434 = arith.constant dense<0xFF800000> : vector<24xf32>
      %reduce_max3A_435 = vector.multi_reduction <maximumf>, %select_n3A_433, %reduce_max3A_434 [1] : vector<24x2048xf32> to vector<24xf32>
      %broadcast_in_dim3A_436 = vector.shape_cast %reduce_max3A_435 : vector<24xf32> to vector<24x1xf32>
      %eq3A_437 = vector.broadcast %broadcast_in_dim3A_436 : vector<24x1xf32> to vector<24x2048xf32>
      %eq3A_438 = arith.cmpf oeq, %select_n3A_433, %eq3A_437 : vector<24x2048xf32>
      %jit3A_439 = arith.constant 2048 : i32
      %broadcast_in_dim3A_440 = vector.broadcast %jit3A_439 : i32 to vector<24x2048xi32>
      %select_n3A_441 = arith.select %eq3A_438, %iota3A_131, %broadcast_in_dim3A_440 : vector<24x2048xi1>, vector<24x2048xi32>
      %reduce_min3A_442 = arith.constant dense<2147483647> : vector<24xi32>
      %reduce_min3A_443 = vector.multi_reduction <minsi>, %select_n3A_441, %reduce_min3A_442 [1] : vector<24x2048xi32> to vector<24xi32>
      %broadcast_in_dim3A_444 = vector.shape_cast %reduce_min3A_443 : vector<24xi32> to vector<24x1xi32>
      %eq3A_445 = vector.broadcast %broadcast_in_dim3A_444 : vector<24x1xi32> to vector<24x2048xi32>
      %eq3A_446 = arith.cmpi eq, %iota3A_131, %eq3A_445 : vector<24x2048xi32>
      %jit3A_447 = arith.constant 0xFF800000 : f32
      %broadcast_in_dim3A_448 = vector.broadcast %jit3A_447 : f32 to vector<24x2048xf32>
      %select_n3A_449 = arith.select %eq3A_446, %broadcast_in_dim3A_448, %select_n3A_433 : vector<24x2048xi1>, vector<24x2048xf32>
      %reduce_max3A_450 = arith.constant dense<0xFF800000> : vector<24xf32>
      %reduce_max3A_451 = vector.multi_reduction <maximumf>, %select_n3A_449, %reduce_max3A_450 [1] : vector<24x2048xf32> to vector<24xf32>
      %broadcast_in_dim3A_452 = vector.shape_cast %reduce_max3A_451 : vector<24xf32> to vector<24x1xf32>
      %eq3A_453 = vector.broadcast %broadcast_in_dim3A_452 : vector<24x1xf32> to vector<24x2048xf32>
      %eq3A_454 = arith.cmpf oeq, %select_n3A_449, %eq3A_453 : vector<24x2048xf32>
      %jit3A_455 = arith.constant 2048 : i32
      %broadcast_in_dim3A_456 = vector.broadcast %jit3A_455 : i32 to vector<24x2048xi32>
      %select_n3A_457 = arith.select %eq3A_454, %iota3A_131, %broadcast_in_dim3A_456 : vector<24x2048xi1>, vector<24x2048xi32>
      %reduce_min3A_458 = arith.constant dense<2147483647> : vector<24xi32>
      %reduce_min3A_459 = vector.multi_reduction <minsi>, %select_n3A_457, %reduce_min3A_458 [1] : vector<24x2048xi32> to vector<24xi32>
      %broadcast_in_dim3A_460 = vector.shape_cast %reduce_min3A_459 : vector<24xi32> to vector<24x1xi32>
      %eq3A_461 = vector.broadcast %broadcast_in_dim3A_460 : vector<24x1xi32> to vector<24x2048xi32>
      %eq3A_462 = arith.cmpi eq, %iota3A_131, %eq3A_461 : vector<24x2048xi32>
      %jit3A_463 = arith.constant 0xFF800000 : f32
      %broadcast_in_dim3A_464 = vector.broadcast %jit3A_463 : f32 to vector<24x2048xf32>
      %select_n3A_465 = arith.select %eq3A_462, %broadcast_in_dim3A_464, %select_n3A_449 : vector<24x2048xi1>, vector<24x2048xf32>
      %reduce_max3A_466 = arith.constant dense<0xFF800000> : vector<24xf32>
      %reduce_max3A_467 = vector.multi_reduction <maximumf>, %select_n3A_465, %reduce_max3A_466 [1] : vector<24x2048xf32> to vector<24xf32>
      %broadcast_in_dim3A_468 = vector.shape_cast %reduce_max3A_467 : vector<24xf32> to vector<24x1xf32>
      %eq3A_469 = vector.broadcast %broadcast_in_dim3A_468 : vector<24x1xf32> to vector<24x2048xf32>
      %eq3A_470 = arith.cmpf oeq, %select_n3A_465, %eq3A_469 : vector<24x2048xf32>
      %jit3A_471 = arith.constant 2048 : i32
      %broadcast_in_dim3A_472 = vector.broadcast %jit3A_471 : i32 to vector<24x2048xi32>
      %select_n3A_473 = arith.select %eq3A_470, %iota3A_131, %broadcast_in_dim3A_472 : vector<24x2048xi1>, vector<24x2048xi32>
      %reduce_min3A_474 = arith.constant dense<2147483647> : vector<24xi32>
      %reduce_min3A_475 = vector.multi_reduction <minsi>, %select_n3A_473, %reduce_min3A_474 [1] : vector<24x2048xi32> to vector<24xi32>
      %broadcast_in_dim3A_476 = vector.shape_cast %reduce_min3A_475 : vector<24xi32> to vector<24x1xi32>
      %eq3A_477 = vector.broadcast %broadcast_in_dim3A_476 : vector<24x1xi32> to vector<24x2048xi32>
      %eq3A_478 = arith.cmpi eq, %iota3A_131, %eq3A_477 : vector<24x2048xi32>
      %jit3A_479 = arith.constant 0xFF800000 : f32
      %broadcast_in_dim3A_480 = vector.broadcast %jit3A_479 : f32 to vector<24x2048xf32>
      %select_n3A_481 = arith.select %eq3A_478, %broadcast_in_dim3A_480, %select_n3A_465 : vector<24x2048xi1>, vector<24x2048xf32>
      %reduce_max3A_482 = arith.constant dense<0xFF800000> : vector<24xf32>
      %reduce_max3A_483 = vector.multi_reduction <maximumf>, %select_n3A_481, %reduce_max3A_482 [1] : vector<24x2048xf32> to vector<24xf32>
      %broadcast_in_dim3A_484 = vector.shape_cast %reduce_max3A_483 : vector<24xf32> to vector<24x1xf32>
      %eq3A_485 = vector.broadcast %broadcast_in_dim3A_484 : vector<24x1xf32> to vector<24x2048xf32>
      %eq3A_486 = arith.cmpf oeq, %select_n3A_481, %eq3A_485 : vector<24x2048xf32>
      %jit3A_487 = arith.constant 2048 : i32
      %broadcast_in_dim3A_488 = vector.broadcast %jit3A_487 : i32 to vector<24x2048xi32>
      %select_n3A_489 = arith.select %eq3A_486, %iota3A_131, %broadcast_in_dim3A_488 : vector<24x2048xi1>, vector<24x2048xi32>
      %reduce_min3A_490 = arith.constant dense<2147483647> : vector<24xi32>
      %reduce_min3A_491 = vector.multi_reduction <minsi>, %select_n3A_489, %reduce_min3A_490 [1] : vector<24x2048xi32> to vector<24xi32>
      %broadcast_in_dim3A_492 = vector.shape_cast %reduce_min3A_491 : vector<24xi32> to vector<24x1xi32>
      %eq3A_493 = vector.broadcast %broadcast_in_dim3A_492 : vector<24x1xi32> to vector<24x2048xi32>
      %eq3A_494 = arith.cmpi eq, %iota3A_131, %eq3A_493 : vector<24x2048xi32>
      %jit3A_495 = arith.constant 0xFF800000 : f32
      %broadcast_in_dim3A_496 = vector.broadcast %jit3A_495 : f32 to vector<24x2048xf32>
      %select_n3A_497 = arith.select %eq3A_494, %broadcast_in_dim3A_496, %select_n3A_481 : vector<24x2048xi1>, vector<24x2048xf32>
      %reduce_max3A_498 = arith.constant dense<0xFF800000> : vector<24xf32>
      %reduce_max3A_499 = vector.multi_reduction <maximumf>, %select_n3A_497, %reduce_max3A_498 [1] : vector<24x2048xf32> to vector<24xf32>
      %broadcast_in_dim3A_500 = vector.shape_cast %reduce_max3A_499 : vector<24xf32> to vector<24x1xf32>
      %eq3A_501 = vector.broadcast %broadcast_in_dim3A_500 : vector<24x1xf32> to vector<24x2048xf32>
      %eq3A_502 = arith.cmpf oeq, %select_n3A_497, %eq3A_501 : vector<24x2048xf32>
      %jit3A_503 = arith.constant 2048 : i32
      %broadcast_in_dim3A_504 = vector.broadcast %jit3A_503 : i32 to vector<24x2048xi32>
      %select_n3A_505 = arith.select %eq3A_502, %iota3A_131, %broadcast_in_dim3A_504 : vector<24x2048xi1>, vector<24x2048xi32>
      %reduce_min3A_506 = arith.constant dense<2147483647> : vector<24xi32>
      %reduce_min3A_507 = vector.multi_reduction <minsi>, %select_n3A_505, %reduce_min3A_506 [1] : vector<24x2048xi32> to vector<24xi32>
      %broadcast_in_dim3A_508 = vector.shape_cast %reduce_min3A_507 : vector<24xi32> to vector<24x1xi32>
      %eq3A_509 = vector.broadcast %broadcast_in_dim3A_508 : vector<24x1xi32> to vector<24x2048xi32>
      %eq3A_510 = arith.cmpi eq, %iota3A_131, %eq3A_509 : vector<24x2048xi32>
      %jit3A_511 = arith.constant 0xFF800000 : f32
      %broadcast_in_dim3A_512 = vector.broadcast %jit3A_511 : f32 to vector<24x2048xf32>
      %select_n3A_513 = arith.select %eq3A_510, %broadcast_in_dim3A_512, %select_n3A_497 : vector<24x2048xi1>, vector<24x2048xf32>
      %reduce_max3A_514 = arith.constant dense<0xFF800000> : vector<24xf32>
      %reduce_max3A_515 = vector.multi_reduction <maximumf>, %select_n3A_513, %reduce_max3A_514 [1] : vector<24x2048xf32> to vector<24xf32>
      %broadcast_in_dim3A_516 = vector.shape_cast %reduce_max3A_515 : vector<24xf32> to vector<24x1xf32>
      %eq3A_517 = vector.broadcast %broadcast_in_dim3A_516 : vector<24x1xf32> to vector<24x2048xf32>
      %eq3A_518 = arith.cmpf oeq, %select_n3A_513, %eq3A_517 : vector<24x2048xf32>
      %jit3A_519 = arith.constant 2048 : i32
      %broadcast_in_dim3A_520 = vector.broadcast %jit3A_519 : i32 to vector<24x2048xi32>
      %select_n3A_521 = arith.select %eq3A_518, %iota3A_131, %broadcast_in_dim3A_520 : vector<24x2048xi1>, vector<24x2048xi32>
      %reduce_min3A_522 = arith.constant dense<2147483647> : vector<24xi32>
      %reduce_min3A_523 = vector.multi_reduction <minsi>, %select_n3A_521, %reduce_min3A_522 [1] : vector<24x2048xi32> to vector<24xi32>
      %broadcast_in_dim3A_524 = vector.shape_cast %reduce_min3A_523 : vector<24xi32> to vector<24x1xi32>
      %eq3A_525 = vector.broadcast %broadcast_in_dim3A_524 : vector<24x1xi32> to vector<24x2048xi32>
      %eq3A_526 = arith.cmpi eq, %iota3A_131, %eq3A_525 : vector<24x2048xi32>
      %jit3A_527 = arith.constant 0xFF800000 : f32
      %broadcast_in_dim3A_528 = vector.broadcast %jit3A_527 : f32 to vector<24x2048xf32>
      %select_n3A_529 = arith.select %eq3A_526, %broadcast_in_dim3A_528, %select_n3A_513 : vector<24x2048xi1>, vector<24x2048xf32>
      %reduce_max3A_530 = arith.constant dense<0xFF800000> : vector<24xf32>
      %reduce_max3A_531 = vector.multi_reduction <maximumf>, %select_n3A_529, %reduce_max3A_530 [1] : vector<24x2048xf32> to vector<24xf32>
      %broadcast_in_dim3A_532 = vector.shape_cast %reduce_max3A_531 : vector<24xf32> to vector<24x1xf32>
      %eq3A_533 = vector.broadcast %broadcast_in_dim3A_532 : vector<24x1xf32> to vector<24x2048xf32>
      %eq3A_534 = arith.cmpf oeq, %select_n3A_529, %eq3A_533 : vector<24x2048xf32>
      %jit3A_535 = arith.constant 2048 : i32
      %broadcast_in_dim3A_536 = vector.broadcast %jit3A_535 : i32 to vector<24x2048xi32>
      %select_n3A_537 = arith.select %eq3A_534, %iota3A_131, %broadcast_in_dim3A_536 : vector<24x2048xi1>, vector<24x2048xi32>
      %reduce_min3A_538 = arith.constant dense<2147483647> : vector<24xi32>
      %reduce_min3A_539 = vector.multi_reduction <minsi>, %select_n3A_537, %reduce_min3A_538 [1] : vector<24x2048xi32> to vector<24xi32>
      %broadcast_in_dim3A_540 = vector.shape_cast %reduce_min3A_539 : vector<24xi32> to vector<24x1xi32>
      %eq3A_541 = vector.broadcast %broadcast_in_dim3A_540 : vector<24x1xi32> to vector<24x2048xi32>
      %eq3A_542 = arith.cmpi eq, %iota3A_131, %eq3A_541 : vector<24x2048xi32>
      %jit3A_543 = arith.constant 0xFF800000 : f32
      %broadcast_in_dim3A_544 = vector.broadcast %jit3A_543 : f32 to vector<24x2048xf32>
      %select_n3A_545 = arith.select %eq3A_542, %broadcast_in_dim3A_544, %select_n3A_529 : vector<24x2048xi1>, vector<24x2048xf32>
      %reduce_max3A_546 = arith.constant dense<0xFF800000> : vector<24xf32>
      %reduce_max3A_547 = vector.multi_reduction <maximumf>, %select_n3A_545, %reduce_max3A_546 [1] : vector<24x2048xf32> to vector<24xf32>
      %broadcast_in_dim3A_548 = vector.shape_cast %reduce_max3A_547 : vector<24xf32> to vector<24x1xf32>
      %eq3A_549 = vector.broadcast %broadcast_in_dim3A_548 : vector<24x1xf32> to vector<24x2048xf32>
      %eq3A_550 = arith.cmpf oeq, %select_n3A_545, %eq3A_549 : vector<24x2048xf32>
      %jit3A_551 = arith.constant 2048 : i32
      %broadcast_in_dim3A_552 = vector.broadcast %jit3A_551 : i32 to vector<24x2048xi32>
      %select_n3A_553 = arith.select %eq3A_550, %iota3A_131, %broadcast_in_dim3A_552 : vector<24x2048xi1>, vector<24x2048xi32>
      %reduce_min3A_554 = arith.constant dense<2147483647> : vector<24xi32>
      %reduce_min3A_555 = vector.multi_reduction <minsi>, %select_n3A_553, %reduce_min3A_554 [1] : vector<24x2048xi32> to vector<24xi32>
      %broadcast_in_dim3A_556 = vector.shape_cast %reduce_min3A_555 : vector<24xi32> to vector<24x1xi32>
      %eq3A_557 = vector.broadcast %broadcast_in_dim3A_556 : vector<24x1xi32> to vector<24x2048xi32>
      %eq3A_558 = arith.cmpi eq, %iota3A_131, %eq3A_557 : vector<24x2048xi32>
      %jit3A_559 = arith.constant 0xFF800000 : f32
      %broadcast_in_dim3A_560 = vector.broadcast %jit3A_559 : f32 to vector<24x2048xf32>
      %select_n3A_561 = arith.select %eq3A_558, %broadcast_in_dim3A_560, %select_n3A_545 : vector<24x2048xi1>, vector<24x2048xf32>
      %reduce_max3A_562 = arith.constant dense<0xFF800000> : vector<24xf32>
      %reduce_max3A_563 = vector.multi_reduction <maximumf>, %select_n3A_561, %reduce_max3A_562 [1] : vector<24x2048xf32> to vector<24xf32>
      %broadcast_in_dim3A_564 = vector.shape_cast %reduce_max3A_563 : vector<24xf32> to vector<24x1xf32>
      %eq3A_565 = vector.broadcast %broadcast_in_dim3A_564 : vector<24x1xf32> to vector<24x2048xf32>
      %eq3A_566 = arith.cmpf oeq, %select_n3A_561, %eq3A_565 : vector<24x2048xf32>
      %jit3A_567 = arith.constant 2048 : i32
      %broadcast_in_dim3A_568 = vector.broadcast %jit3A_567 : i32 to vector<24x2048xi32>
      %select_n3A_569 = arith.select %eq3A_566, %iota3A_131, %broadcast_in_dim3A_568 : vector<24x2048xi1>, vector<24x2048xi32>
      %reduce_min3A_570 = arith.constant dense<2147483647> : vector<24xi32>
      %reduce_min3A_571 = vector.multi_reduction <minsi>, %select_n3A_569, %reduce_min3A_570 [1] : vector<24x2048xi32> to vector<24xi32>
      %broadcast_in_dim3A_572 = vector.shape_cast %reduce_min3A_571 : vector<24xi32> to vector<24x1xi32>
      %eq3A_573 = vector.broadcast %broadcast_in_dim3A_572 : vector<24x1xi32> to vector<24x2048xi32>
      %eq3A_574 = arith.cmpi eq, %iota3A_131, %eq3A_573 : vector<24x2048xi32>
      %jit3A_575 = arith.constant 0xFF800000 : f32
      %broadcast_in_dim3A_576 = vector.broadcast %jit3A_575 : f32 to vector<24x2048xf32>
      %select_n3A_577 = arith.select %eq3A_574, %broadcast_in_dim3A_576, %select_n3A_561 : vector<24x2048xi1>, vector<24x2048xf32>
      %reduce_max3A_578 = arith.constant dense<0xFF800000> : vector<24xf32>
      %reduce_max3A_579 = vector.multi_reduction <maximumf>, %select_n3A_577, %reduce_max3A_578 [1] : vector<24x2048xf32> to vector<24xf32>
      %broadcast_in_dim3A_580 = vector.shape_cast %reduce_max3A_579 : vector<24xf32> to vector<24x1xf32>
      %eq3A_581 = vector.broadcast %broadcast_in_dim3A_580 : vector<24x1xf32> to vector<24x2048xf32>
      %eq3A_582 = arith.cmpf oeq, %select_n3A_577, %eq3A_581 : vector<24x2048xf32>
      %jit3A_583 = arith.constant 2048 : i32
      %broadcast_in_dim3A_584 = vector.broadcast %jit3A_583 : i32 to vector<24x2048xi32>
      %select_n3A_585 = arith.select %eq3A_582, %iota3A_131, %broadcast_in_dim3A_584 : vector<24x2048xi1>, vector<24x2048xi32>
      %reduce_min3A_586 = arith.constant dense<2147483647> : vector<24xi32>
      %reduce_min3A_587 = vector.multi_reduction <minsi>, %select_n3A_585, %reduce_min3A_586 [1] : vector<24x2048xi32> to vector<24xi32>
      %broadcast_in_dim3A_588 = vector.shape_cast %reduce_min3A_587 : vector<24xi32> to vector<24x1xi32>
      %eq3A_589 = vector.broadcast %broadcast_in_dim3A_588 : vector<24x1xi32> to vector<24x2048xi32>
      %eq3A_590 = arith.cmpi eq, %iota3A_131, %eq3A_589 : vector<24x2048xi32>
      %jit3A_591 = arith.constant 0xFF800000 : f32
      %broadcast_in_dim3A_592 = vector.broadcast %jit3A_591 : f32 to vector<24x2048xf32>
      %select_n3A_593 = arith.select %eq3A_590, %broadcast_in_dim3A_592, %select_n3A_577 : vector<24x2048xi1>, vector<24x2048xf32>
      %reduce_max3A_594 = arith.constant dense<0xFF800000> : vector<24xf32>
      %reduce_max3A_595 = vector.multi_reduction <maximumf>, %select_n3A_593, %reduce_max3A_594 [1] : vector<24x2048xf32> to vector<24xf32>
      %broadcast_in_dim3A_596 = vector.shape_cast %reduce_max3A_595 : vector<24xf32> to vector<24x1xf32>
      %eq3A_597 = vector.broadcast %broadcast_in_dim3A_596 : vector<24x1xf32> to vector<24x2048xf32>
      %eq3A_598 = arith.cmpf oeq, %select_n3A_593, %eq3A_597 : vector<24x2048xf32>
      %jit3A_599 = arith.constant 2048 : i32
      %broadcast_in_dim3A_600 = vector.broadcast %jit3A_599 : i32 to vector<24x2048xi32>
      %select_n3A_601 = arith.select %eq3A_598, %iota3A_131, %broadcast_in_dim3A_600 : vector<24x2048xi1>, vector<24x2048xi32>
      %reduce_min3A_602 = arith.constant dense<2147483647> : vector<24xi32>
      %reduce_min3A_603 = vector.multi_reduction <minsi>, %select_n3A_601, %reduce_min3A_602 [1] : vector<24x2048xi32> to vector<24xi32>
      %broadcast_in_dim3A_604 = vector.shape_cast %reduce_min3A_603 : vector<24xi32> to vector<24x1xi32>
      %eq3A_605 = vector.broadcast %broadcast_in_dim3A_604 : vector<24x1xi32> to vector<24x2048xi32>
      %eq3A_606 = arith.cmpi eq, %iota3A_131, %eq3A_605 : vector<24x2048xi32>
      %jit3A_607 = arith.constant 0xFF800000 : f32
      %broadcast_in_dim3A_608 = vector.broadcast %jit3A_607 : f32 to vector<24x2048xf32>
      %select_n3A_609 = arith.select %eq3A_606, %broadcast_in_dim3A_608, %select_n3A_593 : vector<24x2048xi1>, vector<24x2048xf32>
      %reduce_max3A_610 = arith.constant dense<0xFF800000> : vector<24xf32>
      %reduce_max3A_611 = vector.multi_reduction <maximumf>, %select_n3A_609, %reduce_max3A_610 [1] : vector<24x2048xf32> to vector<24xf32>
      %broadcast_in_dim3A_612 = vector.shape_cast %reduce_max3A_611 : vector<24xf32> to vector<24x1xf32>
      %eq3A_613 = vector.broadcast %broadcast_in_dim3A_612 : vector<24x1xf32> to vector<24x2048xf32>
      %eq3A_614 = arith.cmpf oeq, %select_n3A_609, %eq3A_613 : vector<24x2048xf32>
      %jit3A_615 = arith.constant 2048 : i32
      %broadcast_in_dim3A_616 = vector.broadcast %jit3A_615 : i32 to vector<24x2048xi32>
      %select_n3A_617 = arith.select %eq3A_614, %iota3A_131, %broadcast_in_dim3A_616 : vector<24x2048xi1>, vector<24x2048xi32>
      %reduce_min3A_618 = arith.constant dense<2147483647> : vector<24xi32>
      %reduce_min3A_619 = vector.multi_reduction <minsi>, %select_n3A_617, %reduce_min3A_618 [1] : vector<24x2048xi32> to vector<24xi32>
      %broadcast_in_dim3A_620 = vector.shape_cast %reduce_min3A_619 : vector<24xi32> to vector<24x1xi32>
      %eq3A_621 = vector.broadcast %broadcast_in_dim3A_620 : vector<24x1xi32> to vector<24x2048xi32>
      %eq3A_622 = arith.cmpi eq, %iota3A_131, %eq3A_621 : vector<24x2048xi32>
      %jit3A_623 = arith.constant 0xFF800000 : f32
      %broadcast_in_dim3A_624 = vector.broadcast %jit3A_623 : f32 to vector<24x2048xf32>
      %select_n3A_625 = arith.select %eq3A_622, %broadcast_in_dim3A_624, %select_n3A_609 : vector<24x2048xi1>, vector<24x2048xf32>
      %reduce_max3A_626 = arith.constant dense<0xFF800000> : vector<24xf32>
      %reduce_max3A_627 = vector.multi_reduction <maximumf>, %select_n3A_625, %reduce_max3A_626 [1] : vector<24x2048xf32> to vector<24xf32>
      %broadcast_in_dim3A_628 = vector.shape_cast %reduce_max3A_627 : vector<24xf32> to vector<24x1xf32>
      %eq3A_629 = vector.broadcast %broadcast_in_dim3A_628 : vector<24x1xf32> to vector<24x2048xf32>
      %eq3A_630 = arith.cmpf oeq, %select_n3A_625, %eq3A_629 : vector<24x2048xf32>
      %jit3A_631 = arith.constant 2048 : i32
      %broadcast_in_dim3A_632 = vector.broadcast %jit3A_631 : i32 to vector<24x2048xi32>
      %select_n3A_633 = arith.select %eq3A_630, %iota3A_131, %broadcast_in_dim3A_632 : vector<24x2048xi1>, vector<24x2048xi32>
      %reduce_min3A_634 = arith.constant dense<2147483647> : vector<24xi32>
      %reduce_min3A_635 = vector.multi_reduction <minsi>, %select_n3A_633, %reduce_min3A_634 [1] : vector<24x2048xi32> to vector<24xi32>
      %broadcast_in_dim3A_636 = vector.shape_cast %reduce_min3A_635 : vector<24xi32> to vector<24x1xi32>
      %eq3A_637 = vector.broadcast %broadcast_in_dim3A_636 : vector<24x1xi32> to vector<24x2048xi32>
      %eq3A_638 = arith.cmpi eq, %iota3A_131, %eq3A_637 : vector<24x2048xi32>
      %jit3A_639 = arith.constant 0xFF800000 : f32
      %broadcast_in_dim3A_640 = vector.broadcast %jit3A_639 : f32 to vector<24x2048xf32>
      %select_n3A_641 = arith.select %eq3A_638, %broadcast_in_dim3A_640, %select_n3A_625 : vector<24x2048xi1>, vector<24x2048xf32>
      %reduce_max3A_642 = arith.constant dense<0xFF800000> : vector<24xf32>
      %reduce_max3A_643 = vector.multi_reduction <maximumf>, %select_n3A_641, %reduce_max3A_642 [1] : vector<24x2048xf32> to vector<24xf32>
      %broadcast_in_dim3A_644 = vector.shape_cast %reduce_max3A_643 : vector<24xf32> to vector<24x1xf32>
      %eq3A_645 = vector.broadcast %broadcast_in_dim3A_644 : vector<24x1xf32> to vector<24x2048xf32>
      %eq3A_646 = arith.cmpf oeq, %select_n3A_641, %eq3A_645 : vector<24x2048xf32>
      %jit3A_647 = arith.constant 2048 : i32
      %broadcast_in_dim3A_648 = vector.broadcast %jit3A_647 : i32 to vector<24x2048xi32>
      %select_n3A_649 = arith.select %eq3A_646, %iota3A_131, %broadcast_in_dim3A_648 : vector<24x2048xi1>, vector<24x2048xi32>
      %reduce_min3A_650 = arith.constant dense<2147483647> : vector<24xi32>
      %reduce_min3A_651 = vector.multi_reduction <minsi>, %select_n3A_649, %reduce_min3A_650 [1] : vector<24x2048xi32> to vector<24xi32>
      %broadcast_in_dim3A_652 = vector.shape_cast %reduce_min3A_651 : vector<24xi32> to vector<24x1xi32>
      %eq3A_653 = vector.broadcast %broadcast_in_dim3A_652 : vector<24x1xi32> to vector<24x2048xi32>
      %eq3A_654 = arith.cmpi eq, %iota3A_131, %eq3A_653 : vector<24x2048xi32>
      %jit3A_655 = arith.constant 0xFF800000 : f32
      %broadcast_in_dim3A_656 = vector.broadcast %jit3A_655 : f32 to vector<24x2048xf32>
      %select_n3A_657 = arith.select %eq3A_654, %broadcast_in_dim3A_656, %select_n3A_641 : vector<24x2048xi1>, vector<24x2048xf32>
      %reduce_max3A_658 = arith.constant dense<0xFF800000> : vector<24xf32>
      %reduce_max3A_659 = vector.multi_reduction <maximumf>, %select_n3A_657, %reduce_max3A_658 [1] : vector<24x2048xf32> to vector<24xf32>
      %broadcast_in_dim3A_660 = vector.shape_cast %reduce_max3A_659 : vector<24xf32> to vector<24x1xf32>
      %eq3A_661 = vector.broadcast %broadcast_in_dim3A_660 : vector<24x1xf32> to vector<24x2048xf32>
      %eq3A_662 = arith.cmpf oeq, %select_n3A_657, %eq3A_661 : vector<24x2048xf32>
      %jit3A_663 = arith.constant 2048 : i32
      %broadcast_in_dim3A_664 = vector.broadcast %jit3A_663 : i32 to vector<24x2048xi32>
      %select_n3A_665 = arith.select %eq3A_662, %iota3A_131, %broadcast_in_dim3A_664 : vector<24x2048xi1>, vector<24x2048xi32>
      %reduce_min3A_666 = arith.constant dense<2147483647> : vector<24xi32>
      %reduce_min3A_667 = vector.multi_reduction <minsi>, %select_n3A_665, %reduce_min3A_666 [1] : vector<24x2048xi32> to vector<24xi32>
      %broadcast_in_dim3A_668 = vector.shape_cast %reduce_min3A_667 : vector<24xi32> to vector<24x1xi32>
      %eq3A_669 = vector.broadcast %broadcast_in_dim3A_668 : vector<24x1xi32> to vector<24x2048xi32>
      %eq3A_670 = arith.cmpi eq, %iota3A_131, %eq3A_669 : vector<24x2048xi32>
      %jit3A_671 = arith.constant 0xFF800000 : f32
      %broadcast_in_dim3A_672 = vector.broadcast %jit3A_671 : f32 to vector<24x2048xf32>
      %select_n3A_673 = arith.select %eq3A_670, %broadcast_in_dim3A_672, %select_n3A_657 : vector<24x2048xi1>, vector<24x2048xf32>
      %reduce_max3A_674 = arith.constant dense<0xFF800000> : vector<24xf32>
      %reduce_max3A_675 = vector.multi_reduction <maximumf>, %select_n3A_673, %reduce_max3A_674 [1] : vector<24x2048xf32> to vector<24xf32>
      %broadcast_in_dim3A_676 = vector.shape_cast %reduce_max3A_675 : vector<24xf32> to vector<24x1xf32>
      %eq3A_677 = vector.broadcast %broadcast_in_dim3A_676 : vector<24x1xf32> to vector<24x2048xf32>
      %eq3A_678 = arith.cmpf oeq, %select_n3A_673, %eq3A_677 : vector<24x2048xf32>
      %jit3A_679 = arith.constant 2048 : i32
      %broadcast_in_dim3A_680 = vector.broadcast %jit3A_679 : i32 to vector<24x2048xi32>
      %select_n3A_681 = arith.select %eq3A_678, %iota3A_131, %broadcast_in_dim3A_680 : vector<24x2048xi1>, vector<24x2048xi32>
      %reduce_min3A_682 = arith.constant dense<2147483647> : vector<24xi32>
      %reduce_min3A_683 = vector.multi_reduction <minsi>, %select_n3A_681, %reduce_min3A_682 [1] : vector<24x2048xi32> to vector<24xi32>
      %broadcast_in_dim3A_684 = vector.shape_cast %reduce_min3A_683 : vector<24xi32> to vector<24x1xi32>
      %eq3A_685 = vector.broadcast %broadcast_in_dim3A_684 : vector<24x1xi32> to vector<24x2048xi32>
      %eq3A_686 = arith.cmpi eq, %iota3A_131, %eq3A_685 : vector<24x2048xi32>
      %jit3A_687 = arith.constant 0xFF800000 : f32
      %broadcast_in_dim3A_688 = vector.broadcast %jit3A_687 : f32 to vector<24x2048xf32>
      %select_n3A_689 = arith.select %eq3A_686, %broadcast_in_dim3A_688, %select_n3A_673 : vector<24x2048xi1>, vector<24x2048xf32>
      %reduce_max3A_690 = arith.constant dense<0xFF800000> : vector<24xf32>
      %reduce_max3A_691 = vector.multi_reduction <maximumf>, %select_n3A_689, %reduce_max3A_690 [1] : vector<24x2048xf32> to vector<24xf32>
      %broadcast_in_dim3A_692 = vector.shape_cast %reduce_max3A_691 : vector<24xf32> to vector<24x1xf32>
      %eq3A_693 = vector.broadcast %broadcast_in_dim3A_692 : vector<24x1xf32> to vector<24x2048xf32>
      %eq3A_694 = arith.cmpf oeq, %select_n3A_689, %eq3A_693 : vector<24x2048xf32>
      %jit3A_695 = arith.constant 2048 : i32
      %broadcast_in_dim3A_696 = vector.broadcast %jit3A_695 : i32 to vector<24x2048xi32>
      %select_n3A_697 = arith.select %eq3A_694, %iota3A_131, %broadcast_in_dim3A_696 : vector<24x2048xi1>, vector<24x2048xi32>
      %reduce_min3A_698 = arith.constant dense<2147483647> : vector<24xi32>
      %reduce_min3A_699 = vector.multi_reduction <minsi>, %select_n3A_697, %reduce_min3A_698 [1] : vector<24x2048xi32> to vector<24xi32>
      %broadcast_in_dim3A_700 = vector.shape_cast %reduce_min3A_699 : vector<24xi32> to vector<24x1xi32>
      %eq3A_701 = vector.broadcast %broadcast_in_dim3A_700 : vector<24x1xi32> to vector<24x2048xi32>
      %eq3A_702 = arith.cmpi eq, %iota3A_131, %eq3A_701 : vector<24x2048xi32>
      %jit3A_703 = arith.constant 0xFF800000 : f32
      %broadcast_in_dim3A_704 = vector.broadcast %jit3A_703 : f32 to vector<24x2048xf32>
      %select_n3A_705 = arith.select %eq3A_702, %broadcast_in_dim3A_704, %select_n3A_689 : vector<24x2048xi1>, vector<24x2048xf32>
      %reduce_max3A_706 = arith.constant dense<0xFF800000> : vector<24xf32>
      %reduce_max3A_707 = vector.multi_reduction <maximumf>, %select_n3A_705, %reduce_max3A_706 [1] : vector<24x2048xf32> to vector<24xf32>
      %broadcast_in_dim3A_708 = vector.shape_cast %reduce_max3A_707 : vector<24xf32> to vector<24x1xf32>
      %eq3A_709 = vector.broadcast %broadcast_in_dim3A_708 : vector<24x1xf32> to vector<24x2048xf32>
      %eq3A_710 = arith.cmpf oeq, %select_n3A_705, %eq3A_709 : vector<24x2048xf32>
      %jit3A_711 = arith.constant 2048 : i32
      %broadcast_in_dim3A_712 = vector.broadcast %jit3A_711 : i32 to vector<24x2048xi32>
      %select_n3A_713 = arith.select %eq3A_710, %iota3A_131, %broadcast_in_dim3A_712 : vector<24x2048xi1>, vector<24x2048xi32>
      %reduce_min3A_714 = arith.constant dense<2147483647> : vector<24xi32>
      %reduce_min3A_715 = vector.multi_reduction <minsi>, %select_n3A_713, %reduce_min3A_714 [1] : vector<24x2048xi32> to vector<24xi32>
      %broadcast_in_dim3A_716 = vector.shape_cast %reduce_min3A_715 : vector<24xi32> to vector<24x1xi32>
      %eq3A_717 = vector.broadcast %broadcast_in_dim3A_716 : vector<24x1xi32> to vector<24x2048xi32>
      %eq3A_718 = arith.cmpi eq, %iota3A_131, %eq3A_717 : vector<24x2048xi32>
      %jit3A_719 = arith.constant 0xFF800000 : f32
      %broadcast_in_dim3A_720 = vector.broadcast %jit3A_719 : f32 to vector<24x2048xf32>
      %select_n3A_721 = arith.select %eq3A_718, %broadcast_in_dim3A_720, %select_n3A_705 : vector<24x2048xi1>, vector<24x2048xf32>
      %reduce_max3A_722 = arith.constant dense<0xFF800000> : vector<24xf32>
      %reduce_max3A_723 = vector.multi_reduction <maximumf>, %select_n3A_721, %reduce_max3A_722 [1] : vector<24x2048xf32> to vector<24xf32>
      %broadcast_in_dim3A_724 = vector.shape_cast %reduce_max3A_723 : vector<24xf32> to vector<24x1xf32>
      %eq3A_725 = vector.broadcast %broadcast_in_dim3A_724 : vector<24x1xf32> to vector<24x2048xf32>
      %eq3A_726 = arith.cmpf oeq, %select_n3A_721, %eq3A_725 : vector<24x2048xf32>
      %jit3A_727 = arith.constant 2048 : i32
      %broadcast_in_dim3A_728 = vector.broadcast %jit3A_727 : i32 to vector<24x2048xi32>
      %select_n3A_729 = arith.select %eq3A_726, %iota3A_131, %broadcast_in_dim3A_728 : vector<24x2048xi1>, vector<24x2048xi32>
      %reduce_min3A_730 = arith.constant dense<2147483647> : vector<24xi32>
      %reduce_min3A_731 = vector.multi_reduction <minsi>, %select_n3A_729, %reduce_min3A_730 [1] : vector<24x2048xi32> to vector<24xi32>
      %broadcast_in_dim3A_732 = vector.shape_cast %reduce_min3A_731 : vector<24xi32> to vector<24x1xi32>
      %eq3A_733 = vector.broadcast %broadcast_in_dim3A_732 : vector<24x1xi32> to vector<24x2048xi32>
      %eq3A_734 = arith.cmpi eq, %iota3A_131, %eq3A_733 : vector<24x2048xi32>
      %jit3A_735 = arith.constant 0xFF800000 : f32
      %broadcast_in_dim3A_736 = vector.broadcast %jit3A_735 : f32 to vector<24x2048xf32>
      %select_n3A_737 = arith.select %eq3A_734, %broadcast_in_dim3A_736, %select_n3A_721 : vector<24x2048xi1>, vector<24x2048xf32>
      %reduce_max3A_738 = arith.constant dense<0xFF800000> : vector<24xf32>
      %reduce_max3A_739 = vector.multi_reduction <maximumf>, %select_n3A_737, %reduce_max3A_738 [1] : vector<24x2048xf32> to vector<24xf32>
      %broadcast_in_dim3A_740 = vector.shape_cast %reduce_max3A_739 : vector<24xf32> to vector<24x1xf32>
      %eq3A_741 = vector.broadcast %broadcast_in_dim3A_740 : vector<24x1xf32> to vector<24x2048xf32>
      %eq3A_742 = arith.cmpf oeq, %select_n3A_737, %eq3A_741 : vector<24x2048xf32>
      %jit3A_743 = arith.constant 2048 : i32
      %broadcast_in_dim3A_744 = vector.broadcast %jit3A_743 : i32 to vector<24x2048xi32>
      %select_n3A_745 = arith.select %eq3A_742, %iota3A_131, %broadcast_in_dim3A_744 : vector<24x2048xi1>, vector<24x2048xi32>
      %reduce_min3A_746 = arith.constant dense<2147483647> : vector<24xi32>
      %reduce_min3A_747 = vector.multi_reduction <minsi>, %select_n3A_745, %reduce_min3A_746 [1] : vector<24x2048xi32> to vector<24xi32>
      %broadcast_in_dim3A_748 = vector.shape_cast %reduce_min3A_747 : vector<24xi32> to vector<24x1xi32>
      %eq3A_749 = vector.broadcast %broadcast_in_dim3A_748 : vector<24x1xi32> to vector<24x2048xi32>
      %eq3A_750 = arith.cmpi eq, %iota3A_131, %eq3A_749 : vector<24x2048xi32>
      %jit3A_751 = arith.constant 0xFF800000 : f32
      %broadcast_in_dim3A_752 = vector.broadcast %jit3A_751 : f32 to vector<24x2048xf32>
      %select_n3A_753 = arith.select %eq3A_750, %broadcast_in_dim3A_752, %select_n3A_737 : vector<24x2048xi1>, vector<24x2048xf32>
      %reduce_max3A_754 = arith.constant dense<0xFF800000> : vector<24xf32>
      %reduce_max3A_755 = vector.multi_reduction <maximumf>, %select_n3A_753, %reduce_max3A_754 [1] : vector<24x2048xf32> to vector<24xf32>
      %broadcast_in_dim3A_756 = vector.shape_cast %reduce_max3A_755 : vector<24xf32> to vector<24x1xf32>
      %eq3A_757 = vector.broadcast %broadcast_in_dim3A_756 : vector<24x1xf32> to vector<24x2048xf32>
      %eq3A_758 = arith.cmpf oeq, %select_n3A_753, %eq3A_757 : vector<24x2048xf32>
      %jit3A_759 = arith.constant 2048 : i32
      %broadcast_in_dim3A_760 = vector.broadcast %jit3A_759 : i32 to vector<24x2048xi32>
      %select_n3A_761 = arith.select %eq3A_758, %iota3A_131, %broadcast_in_dim3A_760 : vector<24x2048xi1>, vector<24x2048xi32>
      %reduce_min3A_762 = arith.constant dense<2147483647> : vector<24xi32>
      %reduce_min3A_763 = vector.multi_reduction <minsi>, %select_n3A_761, %reduce_min3A_762 [1] : vector<24x2048xi32> to vector<24xi32>
      %broadcast_in_dim3A_764 = vector.shape_cast %reduce_min3A_763 : vector<24xi32> to vector<24x1xi32>
      %concatenate3A_765 = tpu.concatenate %broadcast_in_dim3A_133, %broadcast_in_dim3A_148, %broadcast_in_dim3A_164, %broadcast_in_dim3A_180, %broadcast_in_dim3A_196, %broadcast_in_dim3A_212, %broadcast_in_dim3A_228, %broadcast_in_dim3A_244, %broadcast_in_dim3A_260, %broadcast_in_dim3A_276, %broadcast_in_dim3A_292, %broadcast_in_dim3A_308, %broadcast_in_dim3A_324, %broadcast_in_dim3A_340, %broadcast_in_dim3A_356, %broadcast_in_dim3A_372, %broadcast_in_dim3A_388, %broadcast_in_dim3A_404, %broadcast_in_dim3A_420, %broadcast_in_dim3A_436, %broadcast_in_dim3A_452, %broadcast_in_dim3A_468, %broadcast_in_dim3A_484, %broadcast_in_dim3A_500, %broadcast_in_dim3A_516, %broadcast_in_dim3A_532, %broadcast_in_dim3A_548, %broadcast_in_dim3A_564, %broadcast_in_dim3A_580, %broadcast_in_dim3A_596, %broadcast_in_dim3A_612, %broadcast_in_dim3A_628, %broadcast_in_dim3A_644, %broadcast_in_dim3A_660, %broadcast_in_dim3A_676, %broadcast_in_dim3A_692, %broadcast_in_dim3A_708, %broadcast_in_dim3A_724, %broadcast_in_dim3A_740, %broadcast_in_dim3A_756 in 1 : vector<24x1xf32>, vector<24x1xf32>, vector<24x1xf32>, vector<24x1xf32>, vector<24x1xf32>, vector<24x1xf32>, vector<24x1xf32>, vector<24x1xf32>, vector<24x1xf32>, vector<24x1xf32>, vector<24x1xf32>, vector<24x1xf32>, vector<24x1xf32>, vector<24x1xf32>, vector<24x1xf32>, vector<24x1xf32>, vector<24x1xf32>, vector<24x1xf32>, vector<24x1xf32>, vector<24x1xf32>, vector<24x1xf32>, vector<24x1xf32>, vector<24x1xf32>, vector<24x1xf32>, vector<24x1xf32>, vector<24x1xf32>, vector<24x1xf32>, vector<24x1xf32>, vector<24x1xf32>, vector<24x1xf32>, vector<24x1xf32>, vector<24x1xf32>, vector<24x1xf32>, vector<24x1xf32>, vector<24x1xf32>, vector<24x1xf32>, vector<24x1xf32>, vector<24x1xf32>, vector<24x1xf32>, vector<24x1xf32> -> vector<24x40xf32>
      %slice3A_766 = vector.extract_strided_slice %concatenate3A_765 {offsets = [0, 0], sizes = [24, 1], strides = [1, 1]} : vector<24x40xf32> to vector<24x1xf32>
      %sub3A_767 = vector.broadcast %slice3A_766 : vector<24x1xf32> to vector<24x40xf32>
      %sub3A_768 = arith.subf %concatenate3A_765, %sub3A_767 : vector<24x40xf32>
      %exp3A = math.exp %sub3A_768 : vector<24x40xf32>
      %reduce_sum3A = arith.constant dense<0.000000e+00> : vector<24xf32>
      %reduce_sum3A_769 = vector.multi_reduction <add>, %exp3A, %reduce_sum3A [1] : vector<24x40xf32> to vector<24xf32>
      %broadcast_in_dim3A_770 = vector.shape_cast %reduce_sum3A_769 : vector<24xf32> to vector<24x1xf32>
      %div3A = vector.broadcast %broadcast_in_dim3A_770 : vector<24x1xf32> to vector<24x40xf32>
      %div3A_771 = arith.divf %exp3A, %div3A : vector<24x40xf32>
      %broadcast_in_dim3A_772 = arith.constant 0.000000e+00 : f32
      %broadcast_in_dim3A_773 = vector.broadcast %broadcast_in_dim3A_772 : f32 to vector<24x24xf32>
      %concatenate3A_774 = tpu.concatenate %div3A_771, %broadcast_in_dim3A_773 in 1 : vector<24x40xf32>, vector<24x24xf32> -> vector<24x64xf32>
      %swap3A_775 = arith.constant 0 : index
      %swap3A_776 = arith.constant 0 : index
      %swap3A_777 = vector.load %arg8[%swap3A_775, %swap3A_776] : memref<24x64xf32, #tpu.memory_space<vmem>>, vector<24x64xf32>
      tpu.vector_store %arg8[%swap3A_775, %swap3A_776], %concatenate3A_774 {strides = array<i32>} : memref<24x64xf32, #tpu.memory_space<vmem>>, vector<24x64xf32>,
      %convert_element_type3A_778 = arith.fptosi %broadcast_in_dim3A_773 : vector<24x24xf32> to vector<24x24xi32>
      %concatenate3A_779 = tpu.concatenate %broadcast_in_dim3A_140, %broadcast_in_dim3A_156, %broadcast_in_dim3A_172, %broadcast_in_dim3A_188, %broadcast_in_dim3A_204, %broadcast_in_dim3A_220, %broadcast_in_dim3A_236, %broadcast_in_dim3A_252, %broadcast_in_dim3A_268, %broadcast_in_dim3A_284, %broadcast_in_dim3A_300, %broadcast_in_dim3A_316, %broadcast_in_dim3A_332, %broadcast_in_dim3A_348, %broadcast_in_dim3A_364, %broadcast_in_dim3A_380, %broadcast_in_dim3A_396, %broadcast_in_dim3A_412, %broadcast_in_dim3A_428, %broadcast_in_dim3A_444, %broadcast_in_dim3A_460, %broadcast_in_dim3A_476, %broadcast_in_dim3A_492, %broadcast_in_dim3A_508, %broadcast_in_dim3A_524, %broadcast_in_dim3A_540, %broadcast_in_dim3A_556, %broadcast_in_dim3A_572, %broadcast_in_dim3A_588, %broadcast_in_dim3A_604, %broadcast_in_dim3A_620, %broadcast_in_dim3A_636, %broadcast_in_dim3A_652, %broadcast_in_dim3A_668, %broadcast_in_dim3A_684, %broadcast_in_dim3A_700, %broadcast_in_dim3A_716, %broadcast_in_dim3A_732, %broadcast_in_dim3A_748, %broadcast_in_dim3A_764, %convert_element_type3A_778 in 1 : vector<24x1xi32>, vector<24x1xi32>, vector<24x1xi32>, vector<24x1xi32>, vector<24x1xi32>, vector<24x1xi32>, vector<24x1xi32>, vector<24x1xi32>, vector<24x1xi32>, vector<24x1xi32>, vector<24x1xi32>, vector<24x1xi32>, vector<24x1xi32>, vector<24x1xi32>, vector<24x1xi32>, vector<24x1xi32>, vector<24x1xi32>, vector<24x1xi32>, vector<24x1xi32>, vector<24x1xi32>, vector<24x1xi32>, vector<24x1xi32>, vector<24x1xi32>, vector<24x1xi32>, vector<24x1xi32>, vector<24x1xi32>, vector<24x1xi32>, vector<24x1xi32>, vector<24x1xi32>, vector<24x1xi32>, vector<24x1xi32>, vector<24x1xi32>, vector<24x1xi32>, vector<24x1xi32>, vector<24x1xi32>, vector<24x1xi32>, vector<24x1xi32>, vector<24x1xi32>, vector<24x1xi32>, vector<24x1xi32>, vector<24x24xi32> -> vector<24x64xi32>
      %swap3A_780 = arith.constant 0 : index
      %swap3A_781 = arith.constant 0 : index
      %swap3A_782 = vector.load %arg9[%swap3A_780, %swap3A_781] : memref<24x64xi32, #tpu.memory_space<vmem>>, vector<24x64xi32>
      tpu.vector_store %arg9[%swap3A_780, %swap3A_781], %concatenate3A_779 {strides = array<i32>} : memref<24x64xi32, #tpu.memory_space<vmem>>, vector<24x64xi32>,
    } else {
    }
    return
  }
  func.func @transform_0(%arg0: i32) -> (i32, i32) {
    %c0_i32 = arith.constant 0 : i32
    %c0_i32_0 = arith.constant 0 : i32
    %c0_i32_1 = arith.constant 0 : i32
    return %c0_i32, %c0_i32_0 : i32, i32
  }
  func.func @transform_1(%arg0: i32) -> (i32, i32, i32) {
    %c0_i32 = arith.constant 0 : i32
    %c0_i32_0 = arith.constant 0 : i32
    %c0_i32_1 = arith.constant 0 : i32
    return %arg0, %c0_i32, %c0_i32_0 : i32, i32, i32
  }
  func.func @transform_2(%arg0: i32) -> (i32, i32, i32) {
    %c0_i32 = arith.constant 0 : i32
    %c0_i32_0 = arith.constant 0 : i32
    %c0_i32_1 = arith.constant 0 : i32
    return %arg0, %c0_i32, %c0_i32_0 : i32, i32, i32
  }
  func.func @transform_3(%arg0: i32) -> (i32, i32, i32) {
    %c0_i32 = arith.constant 0 : i32
    %c0_i32_0 = arith.constant 0 : i32
    %c0_i32_1 = arith.constant 0 : i32
    return %arg0, %c0_i32, %c0_i32_0 : i32, i32, i32
  }
  func.func @transform_4(%arg0: i32) -> (i32, i32, i32) {
    %c0_i32 = arith.constant 0 : i32
    %c0_i32_0 = arith.constant 0 : i32
    %c0_i32_1 = arith.constant 0 : i32
    return %arg0, %c0_i32, %c0_i32_0 : i32, i32, i32
  }
  func.func @transform_5(%arg0: i32) -> (i32, i32, i32) {
    %c0_i32 = arith.constant 0 : i32
    %c0_i32_0 = arith.constant 0 : i32
    %c0_i32_1 = arith.constant 0 : i32
    return %arg0, %c0_i32, %c0_i32_0 : i32, i32, i32
  }
  func.func @transform_6(%arg0: i32) -> (i32, i32, i32) {
    %c0_i32 = arith.constant 0 : i32
    %c0_i32_0 = arith.constant 0 : i32
    %c0_i32_1 = arith.constant 0 : i32
    return %arg0, %c0_i32, %c0_i32_0 : i32, i32, i32
  }
  func.func @transform_7(%arg0: i32) -> (i32, i32) {
    %c0_i32 = arith.constant 0 : i32
    %c0_i32_0 = arith.constant 0 : i32
    %c0_i32_1 = arith.constant 0 : i32
    return %c0_i32, %c0_i32_0 : i32, i32
  }
  func.func @transform_8(%arg0: i32) -> (i32, i32) {
    %c0_i32 = arith.constant 0 : i32
    %c0_i32_0 = arith.constant 0 : i32
    %c0_i32_1 = arith.constant 0 : i32
    return %c0_i32, %c0_i32_0 : i32, i32
  }
}

module attributes {stable_mosaic.version = 14 : i64} {
  func.func @_tc_combine_body(%arg0: i32, %arg1: memref<1536xi32, #tpu.memory_space<smem>>, %arg2: memref<1536xf32, #tpu.memory_space<smem>>, %arg3: memref<24x2048xf32, #tpu.memory_space<vmem>>, %arg4: memref<1x1x2048xf32, #tpu.memory_space<vmem>>) attributes {dimension_semantics = [#tpu.dimension_semantics<arbitrary>], iteration_bounds = array<i64: 16>, scalar_prefetch = 2 : i64, scratch_operands = 0 : i64, tpu.core_type = #tpu.core_type<tc>, window_params = [{pipeline_mode = #tpu.pipeline_mode<synchronous>, transform_indices = @transform_0, window_bounds = array<i64: 24, 2048>}, {transform_indices = @transform_1, window_bounds = array<i64: 1, 1, 2048>}]} {
    %get3A = arith.index_cast %arg0 : i32 to index
    %get3A_0 = arith.constant 0 : index
    %get3A_1 = vector.load %arg3[%get3A, %get3A_0] : memref<24x2048xf32, #tpu.memory_space<vmem>>, vector<1x2048xf32>
    %broadcast_in_dim3A = arith.constant 0.000000e+00 : f32
    %broadcast_in_dim3A_2 = vector.broadcast %broadcast_in_dim3A : f32 to vector<1x2048xf32>
    %mul3A = arith.constant 64 : i32
    %mul3A_3 = arith.muli %arg0, %mul3A : i32
    %add3A = arith.constant 0 : i32
    %add3A_4 = arith.addi %mul3A_3, %add3A : i32
    %get3A_5 = arith.index_cast %add3A_4 : i32 to index
    %get3A_6 = memref.load %arg1[%get3A_5] : memref<1536xi32, #tpu.memory_space<smem>>
    %mul3A_7 = arith.constant 64 : i32
    %mul3A_8 = arith.muli %arg0, %mul3A_7 : i32
    %add3A_9 = arith.constant 0 : i32
    %add3A_10 = arith.addi %mul3A_8, %add3A_9 : i32
    %get3A_11 = arith.index_cast %add3A_10 : i32 to index
    %get3A_12 = memref.load %arg2[%get3A_11] : memref<1536xf32, #tpu.memory_space<smem>>
    %neg3A = arith.constant 0 : i32
    %neg3A_13 = arith.subi %neg3A, %get3A_6 : i32
    %roll3A = tpu.dynamic_rotate %get3A_1 by %neg3A_13 dim 1 : vector<1x2048xf32>, i32 -> vector<1x2048xf32>
    %mul3A_14 = vector.broadcast %get3A_12 : f32 to vector<1x2048xf32>
    %mul3A_15 = arith.mulf %roll3A, %mul3A_14 : vector<1x2048xf32>
    %add3A_16 = arith.addf %broadcast_in_dim3A_2, %mul3A_15 : vector<1x2048xf32>
    %mul3A_17 = arith.constant 64 : i32
    %mul3A_18 = arith.muli %arg0, %mul3A_17 : i32
    %add3A_19 = arith.constant 1 : i32
    %add3A_20 = arith.addi %mul3A_18, %add3A_19 : i32
    %get3A_21 = arith.index_cast %add3A_20 : i32 to index
    %get3A_22 = memref.load %arg1[%get3A_21] : memref<1536xi32, #tpu.memory_space<smem>>
    %mul3A_23 = arith.constant 64 : i32
    %mul3A_24 = arith.muli %arg0, %mul3A_23 : i32
    %add3A_25 = arith.constant 1 : i32
    %add3A_26 = arith.addi %mul3A_24, %add3A_25 : i32
    %get3A_27 = arith.index_cast %add3A_26 : i32 to index
    %get3A_28 = memref.load %arg2[%get3A_27] : memref<1536xf32, #tpu.memory_space<smem>>
    %neg3A_29 = arith.constant 0 : i32
    %neg3A_30 = arith.subi %neg3A_29, %get3A_22 : i32
    %roll3A_31 = tpu.dynamic_rotate %get3A_1 by %neg3A_30 dim 1 : vector<1x2048xf32>, i32 -> vector<1x2048xf32>
    %mul3A_32 = vector.broadcast %get3A_28 : f32 to vector<1x2048xf32>
    %mul3A_33 = arith.mulf %roll3A_31, %mul3A_32 : vector<1x2048xf32>
    %add3A_34 = arith.addf %add3A_16, %mul3A_33 : vector<1x2048xf32>
    %mul3A_35 = arith.constant 64 : i32
    %mul3A_36 = arith.muli %arg0, %mul3A_35 : i32
    %add3A_37 = arith.constant 2 : i32
    %add3A_38 = arith.addi %mul3A_36, %add3A_37 : i32
    %get3A_39 = arith.index_cast %add3A_38 : i32 to index
    %get3A_40 = memref.load %arg1[%get3A_39] : memref<1536xi32, #tpu.memory_space<smem>>
    %mul3A_41 = arith.constant 64 : i32
    %mul3A_42 = arith.muli %arg0, %mul3A_41 : i32
    %add3A_43 = arith.constant 2 : i32
    %add3A_44 = arith.addi %mul3A_42, %add3A_43 : i32
    %get3A_45 = arith.index_cast %add3A_44 : i32 to index
    %get3A_46 = memref.load %arg2[%get3A_45] : memref<1536xf32, #tpu.memory_space<smem>>
    %neg3A_47 = arith.constant 0 : i32
    %neg3A_48 = arith.subi %neg3A_47, %get3A_40 : i32
    %roll3A_49 = tpu.dynamic_rotate %get3A_1 by %neg3A_48 dim 1 : vector<1x2048xf32>, i32 -> vector<1x2048xf32>
    %mul3A_50 = vector.broadcast %get3A_46 : f32 to vector<1x2048xf32>
    %mul3A_51 = arith.mulf %roll3A_49, %mul3A_50 : vector<1x2048xf32>
    %add3A_52 = arith.addf %add3A_34, %mul3A_51 : vector<1x2048xf32>
    %mul3A_53 = arith.constant 64 : i32
    %mul3A_54 = arith.muli %arg0, %mul3A_53 : i32
    %add3A_55 = arith.constant 3 : i32
    %add3A_56 = arith.addi %mul3A_54, %add3A_55 : i32
    %get3A_57 = arith.index_cast %add3A_56 : i32 to index
    %get3A_58 = memref.load %arg1[%get3A_57] : memref<1536xi32, #tpu.memory_space<smem>>
    %mul3A_59 = arith.constant 64 : i32
    %mul3A_60 = arith.muli %arg0, %mul3A_59 : i32
    %add3A_61 = arith.constant 3 : i32
    %add3A_62 = arith.addi %mul3A_60, %add3A_61 : i32
    %get3A_63 = arith.index_cast %add3A_62 : i32 to index
    %get3A_64 = memref.load %arg2[%get3A_63] : memref<1536xf32, #tpu.memory_space<smem>>
    %neg3A_65 = arith.constant 0 : i32
    %neg3A_66 = arith.subi %neg3A_65, %get3A_58 : i32
    %roll3A_67 = tpu.dynamic_rotate %get3A_1 by %neg3A_66 dim 1 : vector<1x2048xf32>, i32 -> vector<1x2048xf32>
    %mul3A_68 = vector.broadcast %get3A_64 : f32 to vector<1x2048xf32>
    %mul3A_69 = arith.mulf %roll3A_67, %mul3A_68 : vector<1x2048xf32>
    %add3A_70 = arith.addf %add3A_52, %mul3A_69 : vector<1x2048xf32>
    %mul3A_71 = arith.constant 64 : i32
    %mul3A_72 = arith.muli %arg0, %mul3A_71 : i32
    %add3A_73 = arith.constant 4 : i32
    %add3A_74 = arith.addi %mul3A_72, %add3A_73 : i32
    %get3A_75 = arith.index_cast %add3A_74 : i32 to index
    %get3A_76 = memref.load %arg1[%get3A_75] : memref<1536xi32, #tpu.memory_space<smem>>
    %mul3A_77 = arith.constant 64 : i32
    %mul3A_78 = arith.muli %arg0, %mul3A_77 : i32
    %add3A_79 = arith.constant 4 : i32
    %add3A_80 = arith.addi %mul3A_78, %add3A_79 : i32
    %get3A_81 = arith.index_cast %add3A_80 : i32 to index
    %get3A_82 = memref.load %arg2[%get3A_81] : memref<1536xf32, #tpu.memory_space<smem>>
    %neg3A_83 = arith.constant 0 : i32
    %neg3A_84 = arith.subi %neg3A_83, %get3A_76 : i32
    %roll3A_85 = tpu.dynamic_rotate %get3A_1 by %neg3A_84 dim 1 : vector<1x2048xf32>, i32 -> vector<1x2048xf32>
    %mul3A_86 = vector.broadcast %get3A_82 : f32 to vector<1x2048xf32>
    %mul3A_87 = arith.mulf %roll3A_85, %mul3A_86 : vector<1x2048xf32>
    %add3A_88 = arith.addf %add3A_70, %mul3A_87 : vector<1x2048xf32>
    %mul3A_89 = arith.constant 64 : i32
    %mul3A_90 = arith.muli %arg0, %mul3A_89 : i32
    %add3A_91 = arith.constant 5 : i32
    %add3A_92 = arith.addi %mul3A_90, %add3A_91 : i32
    %get3A_93 = arith.index_cast %add3A_92 : i32 to index
    %get3A_94 = memref.load %arg1[%get3A_93] : memref<1536xi32, #tpu.memory_space<smem>>
    %mul3A_95 = arith.constant 64 : i32
    %mul3A_96 = arith.muli %arg0, %mul3A_95 : i32
    %add3A_97 = arith.constant 5 : i32
    %add3A_98 = arith.addi %mul3A_96, %add3A_97 : i32
    %get3A_99 = arith.index_cast %add3A_98 : i32 to index
    %get3A_100 = memref.load %arg2[%get3A_99] : memref<1536xf32, #tpu.memory_space<smem>>
    %neg3A_101 = arith.constant 0 : i32
    %neg3A_102 = arith.subi %neg3A_101, %get3A_94 : i32
    %roll3A_103 = tpu.dynamic_rotate %get3A_1 by %neg3A_102 dim 1 : vector<1x2048xf32>, i32 -> vector<1x2048xf32>
    %mul3A_104 = vector.broadcast %get3A_100 : f32 to vector<1x2048xf32>
    %mul3A_105 = arith.mulf %roll3A_103, %mul3A_104 : vector<1x2048xf32>
    %add3A_106 = arith.addf %add3A_88, %mul3A_105 : vector<1x2048xf32>
    %mul3A_107 = arith.constant 64 : i32
    %mul3A_108 = arith.muli %arg0, %mul3A_107 : i32
    %add3A_109 = arith.constant 6 : i32
    %add3A_110 = arith.addi %mul3A_108, %add3A_109 : i32
    %get3A_111 = arith.index_cast %add3A_110 : i32 to index
    %get3A_112 = memref.load %arg1[%get3A_111] : memref<1536xi32, #tpu.memory_space<smem>>
    %mul3A_113 = arith.constant 64 : i32
    %mul3A_114 = arith.muli %arg0, %mul3A_113 : i32
    %add3A_115 = arith.constant 6 : i32
    %add3A_116 = arith.addi %mul3A_114, %add3A_115 : i32
    %get3A_117 = arith.index_cast %add3A_116 : i32 to index
    %get3A_118 = memref.load %arg2[%get3A_117] : memref<1536xf32, #tpu.memory_space<smem>>
    %neg3A_119 = arith.constant 0 : i32
    %neg3A_120 = arith.subi %neg3A_119, %get3A_112 : i32
    %roll3A_121 = tpu.dynamic_rotate %get3A_1 by %neg3A_120 dim 1 : vector<1x2048xf32>, i32 -> vector<1x2048xf32>
    %mul3A_122 = vector.broadcast %get3A_118 : f32 to vector<1x2048xf32>
    %mul3A_123 = arith.mulf %roll3A_121, %mul3A_122 : vector<1x2048xf32>
    %add3A_124 = arith.addf %add3A_106, %mul3A_123 : vector<1x2048xf32>
    %mul3A_125 = arith.constant 64 : i32
    %mul3A_126 = arith.muli %arg0, %mul3A_125 : i32
    %add3A_127 = arith.constant 7 : i32
    %add3A_128 = arith.addi %mul3A_126, %add3A_127 : i32
    %get3A_129 = arith.index_cast %add3A_128 : i32 to index
    %get3A_130 = memref.load %arg1[%get3A_129] : memref<1536xi32, #tpu.memory_space<smem>>
    %mul3A_131 = arith.constant 64 : i32
    %mul3A_132 = arith.muli %arg0, %mul3A_131 : i32
    %add3A_133 = arith.constant 7 : i32
    %add3A_134 = arith.addi %mul3A_132, %add3A_133 : i32
    %get3A_135 = arith.index_cast %add3A_134 : i32 to index
    %get3A_136 = memref.load %arg2[%get3A_135] : memref<1536xf32, #tpu.memory_space<smem>>
    %neg3A_137 = arith.constant 0 : i32
    %neg3A_138 = arith.subi %neg3A_137, %get3A_130 : i32
    %roll3A_139 = tpu.dynamic_rotate %get3A_1 by %neg3A_138 dim 1 : vector<1x2048xf32>, i32 -> vector<1x2048xf32>
    %mul3A_140 = vector.broadcast %get3A_136 : f32 to vector<1x2048xf32>
    %mul3A_141 = arith.mulf %roll3A_139, %mul3A_140 : vector<1x2048xf32>
    %add3A_142 = arith.addf %add3A_124, %mul3A_141 : vector<1x2048xf32>
    %mul3A_143 = arith.constant 64 : i32
    %mul3A_144 = arith.muli %arg0, %mul3A_143 : i32
    %add3A_145 = arith.constant 8 : i32
    %add3A_146 = arith.addi %mul3A_144, %add3A_145 : i32
    %get3A_147 = arith.index_cast %add3A_146 : i32 to index
    %get3A_148 = memref.load %arg1[%get3A_147] : memref<1536xi32, #tpu.memory_space<smem>>
    %mul3A_149 = arith.constant 64 : i32
    %mul3A_150 = arith.muli %arg0, %mul3A_149 : i32
    %add3A_151 = arith.constant 8 : i32
    %add3A_152 = arith.addi %mul3A_150, %add3A_151 : i32
    %get3A_153 = arith.index_cast %add3A_152 : i32 to index
    %get3A_154 = memref.load %arg2[%get3A_153] : memref<1536xf32, #tpu.memory_space<smem>>
    %neg3A_155 = arith.constant 0 : i32
    %neg3A_156 = arith.subi %neg3A_155, %get3A_148 : i32
    %roll3A_157 = tpu.dynamic_rotate %get3A_1 by %neg3A_156 dim 1 : vector<1x2048xf32>, i32 -> vector<1x2048xf32>
    %mul3A_158 = vector.broadcast %get3A_154 : f32 to vector<1x2048xf32>
    %mul3A_159 = arith.mulf %roll3A_157, %mul3A_158 : vector<1x2048xf32>
    %add3A_160 = arith.addf %add3A_142, %mul3A_159 : vector<1x2048xf32>
    %mul3A_161 = arith.constant 64 : i32
    %mul3A_162 = arith.muli %arg0, %mul3A_161 : i32
    %add3A_163 = arith.constant 9 : i32
    %add3A_164 = arith.addi %mul3A_162, %add3A_163 : i32
    %get3A_165 = arith.index_cast %add3A_164 : i32 to index
    %get3A_166 = memref.load %arg1[%get3A_165] : memref<1536xi32, #tpu.memory_space<smem>>
    %mul3A_167 = arith.constant 64 : i32
    %mul3A_168 = arith.muli %arg0, %mul3A_167 : i32
    %add3A_169 = arith.constant 9 : i32
    %add3A_170 = arith.addi %mul3A_168, %add3A_169 : i32
    %get3A_171 = arith.index_cast %add3A_170 : i32 to index
    %get3A_172 = memref.load %arg2[%get3A_171] : memref<1536xf32, #tpu.memory_space<smem>>
    %neg3A_173 = arith.constant 0 : i32
    %neg3A_174 = arith.subi %neg3A_173, %get3A_166 : i32
    %roll3A_175 = tpu.dynamic_rotate %get3A_1 by %neg3A_174 dim 1 : vector<1x2048xf32>, i32 -> vector<1x2048xf32>
    %mul3A_176 = vector.broadcast %get3A_172 : f32 to vector<1x2048xf32>
    %mul3A_177 = arith.mulf %roll3A_175, %mul3A_176 : vector<1x2048xf32>
    %add3A_178 = arith.addf %add3A_160, %mul3A_177 : vector<1x2048xf32>
    %mul3A_179 = arith.constant 64 : i32
    %mul3A_180 = arith.muli %arg0, %mul3A_179 : i32
    %add3A_181 = arith.constant 10 : i32
    %add3A_182 = arith.addi %mul3A_180, %add3A_181 : i32
    %get3A_183 = arith.index_cast %add3A_182 : i32 to index
    %get3A_184 = memref.load %arg1[%get3A_183] : memref<1536xi32, #tpu.memory_space<smem>>
    %mul3A_185 = arith.constant 64 : i32
    %mul3A_186 = arith.muli %arg0, %mul3A_185 : i32
    %add3A_187 = arith.constant 10 : i32
    %add3A_188 = arith.addi %mul3A_186, %add3A_187 : i32
    %get3A_189 = arith.index_cast %add3A_188 : i32 to index
    %get3A_190 = memref.load %arg2[%get3A_189] : memref<1536xf32, #tpu.memory_space<smem>>
    %neg3A_191 = arith.constant 0 : i32
    %neg3A_192 = arith.subi %neg3A_191, %get3A_184 : i32
    %roll3A_193 = tpu.dynamic_rotate %get3A_1 by %neg3A_192 dim 1 : vector<1x2048xf32>, i32 -> vector<1x2048xf32>
    %mul3A_194 = vector.broadcast %get3A_190 : f32 to vector<1x2048xf32>
    %mul3A_195 = arith.mulf %roll3A_193, %mul3A_194 : vector<1x2048xf32>
    %add3A_196 = arith.addf %add3A_178, %mul3A_195 : vector<1x2048xf32>
    %mul3A_197 = arith.constant 64 : i32
    %mul3A_198 = arith.muli %arg0, %mul3A_197 : i32
    %add3A_199 = arith.constant 11 : i32
    %add3A_200 = arith.addi %mul3A_198, %add3A_199 : i32
    %get3A_201 = arith.index_cast %add3A_200 : i32 to index
    %get3A_202 = memref.load %arg1[%get3A_201] : memref<1536xi32, #tpu.memory_space<smem>>
    %mul3A_203 = arith.constant 64 : i32
    %mul3A_204 = arith.muli %arg0, %mul3A_203 : i32
    %add3A_205 = arith.constant 11 : i32
    %add3A_206 = arith.addi %mul3A_204, %add3A_205 : i32
    %get3A_207 = arith.index_cast %add3A_206 : i32 to index
    %get3A_208 = memref.load %arg2[%get3A_207] : memref<1536xf32, #tpu.memory_space<smem>>
    %neg3A_209 = arith.constant 0 : i32
    %neg3A_210 = arith.subi %neg3A_209, %get3A_202 : i32
    %roll3A_211 = tpu.dynamic_rotate %get3A_1 by %neg3A_210 dim 1 : vector<1x2048xf32>, i32 -> vector<1x2048xf32>
    %mul3A_212 = vector.broadcast %get3A_208 : f32 to vector<1x2048xf32>
    %mul3A_213 = arith.mulf %roll3A_211, %mul3A_212 : vector<1x2048xf32>
    %add3A_214 = arith.addf %add3A_196, %mul3A_213 : vector<1x2048xf32>
    %mul3A_215 = arith.constant 64 : i32
    %mul3A_216 = arith.muli %arg0, %mul3A_215 : i32
    %add3A_217 = arith.constant 12 : i32
    %add3A_218 = arith.addi %mul3A_216, %add3A_217 : i32
    %get3A_219 = arith.index_cast %add3A_218 : i32 to index
    %get3A_220 = memref.load %arg1[%get3A_219] : memref<1536xi32, #tpu.memory_space<smem>>
    %mul3A_221 = arith.constant 64 : i32
    %mul3A_222 = arith.muli %arg0, %mul3A_221 : i32
    %add3A_223 = arith.constant 12 : i32
    %add3A_224 = arith.addi %mul3A_222, %add3A_223 : i32
    %get3A_225 = arith.index_cast %add3A_224 : i32 to index
    %get3A_226 = memref.load %arg2[%get3A_225] : memref<1536xf32, #tpu.memory_space<smem>>
    %neg3A_227 = arith.constant 0 : i32
    %neg3A_228 = arith.subi %neg3A_227, %get3A_220 : i32
    %roll3A_229 = tpu.dynamic_rotate %get3A_1 by %neg3A_228 dim 1 : vector<1x2048xf32>, i32 -> vector<1x2048xf32>
    %mul3A_230 = vector.broadcast %get3A_226 : f32 to vector<1x2048xf32>
    %mul3A_231 = arith.mulf %roll3A_229, %mul3A_230 : vector<1x2048xf32>
    %add3A_232 = arith.addf %add3A_214, %mul3A_231 : vector<1x2048xf32>
    %mul3A_233 = arith.constant 64 : i32
    %mul3A_234 = arith.muli %arg0, %mul3A_233 : i32
    %add3A_235 = arith.constant 13 : i32
    %add3A_236 = arith.addi %mul3A_234, %add3A_235 : i32
    %get3A_237 = arith.index_cast %add3A_236 : i32 to index
    %get3A_238 = memref.load %arg1[%get3A_237] : memref<1536xi32, #tpu.memory_space<smem>>
    %mul3A_239 = arith.constant 64 : i32
    %mul3A_240 = arith.muli %arg0, %mul3A_239 : i32
    %add3A_241 = arith.constant 13 : i32
    %add3A_242 = arith.addi %mul3A_240, %add3A_241 : i32
    %get3A_243 = arith.index_cast %add3A_242 : i32 to index
    %get3A_244 = memref.load %arg2[%get3A_243] : memref<1536xf32, #tpu.memory_space<smem>>
    %neg3A_245 = arith.constant 0 : i32
    %neg3A_246 = arith.subi %neg3A_245, %get3A_238 : i32
    %roll3A_247 = tpu.dynamic_rotate %get3A_1 by %neg3A_246 dim 1 : vector<1x2048xf32>, i32 -> vector<1x2048xf32>
    %mul3A_248 = vector.broadcast %get3A_244 : f32 to vector<1x2048xf32>
    %mul3A_249 = arith.mulf %roll3A_247, %mul3A_248 : vector<1x2048xf32>
    %add3A_250 = arith.addf %add3A_232, %mul3A_249 : vector<1x2048xf32>
    %mul3A_251 = arith.constant 64 : i32
    %mul3A_252 = arith.muli %arg0, %mul3A_251 : i32
    %add3A_253 = arith.constant 14 : i32
    %add3A_254 = arith.addi %mul3A_252, %add3A_253 : i32
    %get3A_255 = arith.index_cast %add3A_254 : i32 to index
    %get3A_256 = memref.load %arg1[%get3A_255] : memref<1536xi32, #tpu.memory_space<smem>>
    %mul3A_257 = arith.constant 64 : i32
    %mul3A_258 = arith.muli %arg0, %mul3A_257 : i32
    %add3A_259 = arith.constant 14 : i32
    %add3A_260 = arith.addi %mul3A_258, %add3A_259 : i32
    %get3A_261 = arith.index_cast %add3A_260 : i32 to index
    %get3A_262 = memref.load %arg2[%get3A_261] : memref<1536xf32, #tpu.memory_space<smem>>
    %neg3A_263 = arith.constant 0 : i32
    %neg3A_264 = arith.subi %neg3A_263, %get3A_256 : i32
    %roll3A_265 = tpu.dynamic_rotate %get3A_1 by %neg3A_264 dim 1 : vector<1x2048xf32>, i32 -> vector<1x2048xf32>
    %mul3A_266 = vector.broadcast %get3A_262 : f32 to vector<1x2048xf32>
    %mul3A_267 = arith.mulf %roll3A_265, %mul3A_266 : vector<1x2048xf32>
    %add3A_268 = arith.addf %add3A_250, %mul3A_267 : vector<1x2048xf32>
    %mul3A_269 = arith.constant 64 : i32
    %mul3A_270 = arith.muli %arg0, %mul3A_269 : i32
    %add3A_271 = arith.constant 15 : i32
    %add3A_272 = arith.addi %mul3A_270, %add3A_271 : i32
    %get3A_273 = arith.index_cast %add3A_272 : i32 to index
    %get3A_274 = memref.load %arg1[%get3A_273] : memref<1536xi32, #tpu.memory_space<smem>>
    %mul3A_275 = arith.constant 64 : i32
    %mul3A_276 = arith.muli %arg0, %mul3A_275 : i32
    %add3A_277 = arith.constant 15 : i32
    %add3A_278 = arith.addi %mul3A_276, %add3A_277 : i32
    %get3A_279 = arith.index_cast %add3A_278 : i32 to index
    %get3A_280 = memref.load %arg2[%get3A_279] : memref<1536xf32, #tpu.memory_space<smem>>
    %neg3A_281 = arith.constant 0 : i32
    %neg3A_282 = arith.subi %neg3A_281, %get3A_274 : i32
    %roll3A_283 = tpu.dynamic_rotate %get3A_1 by %neg3A_282 dim 1 : vector<1x2048xf32>, i32 -> vector<1x2048xf32>
    %mul3A_284 = vector.broadcast %get3A_280 : f32 to vector<1x2048xf32>
    %mul3A_285 = arith.mulf %roll3A_283, %mul3A_284 : vector<1x2048xf32>
    %add3A_286 = arith.addf %add3A_268, %mul3A_285 : vector<1x2048xf32>
    %mul3A_287 = arith.constant 64 : i32
    %mul3A_288 = arith.muli %arg0, %mul3A_287 : i32
    %add3A_289 = arith.constant 16 : i32
    %add3A_290 = arith.addi %mul3A_288, %add3A_289 : i32
    %get3A_291 = arith.index_cast %add3A_290 : i32 to index
    %get3A_292 = memref.load %arg1[%get3A_291] : memref<1536xi32, #tpu.memory_space<smem>>
    %mul3A_293 = arith.constant 64 : i32
    %mul3A_294 = arith.muli %arg0, %mul3A_293 : i32
    %add3A_295 = arith.constant 16 : i32
    %add3A_296 = arith.addi %mul3A_294, %add3A_295 : i32
    %get3A_297 = arith.index_cast %add3A_296 : i32 to index
    %get3A_298 = memref.load %arg2[%get3A_297] : memref<1536xf32, #tpu.memory_space<smem>>
    %neg3A_299 = arith.constant 0 : i32
    %neg3A_300 = arith.subi %neg3A_299, %get3A_292 : i32
    %roll3A_301 = tpu.dynamic_rotate %get3A_1 by %neg3A_300 dim 1 : vector<1x2048xf32>, i32 -> vector<1x2048xf32>
    %mul3A_302 = vector.broadcast %get3A_298 : f32 to vector<1x2048xf32>
    %mul3A_303 = arith.mulf %roll3A_301, %mul3A_302 : vector<1x2048xf32>
    %add3A_304 = arith.addf %add3A_286, %mul3A_303 : vector<1x2048xf32>
    %mul3A_305 = arith.constant 64 : i32
    %mul3A_306 = arith.muli %arg0, %mul3A_305 : i32
    %add3A_307 = arith.constant 17 : i32
    %add3A_308 = arith.addi %mul3A_306, %add3A_307 : i32
    %get3A_309 = arith.index_cast %add3A_308 : i32 to index
    %get3A_310 = memref.load %arg1[%get3A_309] : memref<1536xi32, #tpu.memory_space<smem>>
    %mul3A_311 = arith.constant 64 : i32
    %mul3A_312 = arith.muli %arg0, %mul3A_311 : i32
    %add3A_313 = arith.constant 17 : i32
    %add3A_314 = arith.addi %mul3A_312, %add3A_313 : i32
    %get3A_315 = arith.index_cast %add3A_314 : i32 to index
    %get3A_316 = memref.load %arg2[%get3A_315] : memref<1536xf32, #tpu.memory_space<smem>>
    %neg3A_317 = arith.constant 0 : i32
    %neg3A_318 = arith.subi %neg3A_317, %get3A_310 : i32
    %roll3A_319 = tpu.dynamic_rotate %get3A_1 by %neg3A_318 dim 1 : vector<1x2048xf32>, i32 -> vector<1x2048xf32>
    %mul3A_320 = vector.broadcast %get3A_316 : f32 to vector<1x2048xf32>
    %mul3A_321 = arith.mulf %roll3A_319, %mul3A_320 : vector<1x2048xf32>
    %add3A_322 = arith.addf %add3A_304, %mul3A_321 : vector<1x2048xf32>
    %mul3A_323 = arith.constant 64 : i32
    %mul3A_324 = arith.muli %arg0, %mul3A_323 : i32
    %add3A_325 = arith.constant 18 : i32
    %add3A_326 = arith.addi %mul3A_324, %add3A_325 : i32
    %get3A_327 = arith.index_cast %add3A_326 : i32 to index
    %get3A_328 = memref.load %arg1[%get3A_327] : memref<1536xi32, #tpu.memory_space<smem>>
    %mul3A_329 = arith.constant 64 : i32
    %mul3A_330 = arith.muli %arg0, %mul3A_329 : i32
    %add3A_331 = arith.constant 18 : i32
    %add3A_332 = arith.addi %mul3A_330, %add3A_331 : i32
    %get3A_333 = arith.index_cast %add3A_332 : i32 to index
    %get3A_334 = memref.load %arg2[%get3A_333] : memref<1536xf32, #tpu.memory_space<smem>>
    %neg3A_335 = arith.constant 0 : i32
    %neg3A_336 = arith.subi %neg3A_335, %get3A_328 : i32
    %roll3A_337 = tpu.dynamic_rotate %get3A_1 by %neg3A_336 dim 1 : vector<1x2048xf32>, i32 -> vector<1x2048xf32>
    %mul3A_338 = vector.broadcast %get3A_334 : f32 to vector<1x2048xf32>
    %mul3A_339 = arith.mulf %roll3A_337, %mul3A_338 : vector<1x2048xf32>
    %add3A_340 = arith.addf %add3A_322, %mul3A_339 : vector<1x2048xf32>
    %mul3A_341 = arith.constant 64 : i32
    %mul3A_342 = arith.muli %arg0, %mul3A_341 : i32
    %add3A_343 = arith.constant 19 : i32
    %add3A_344 = arith.addi %mul3A_342, %add3A_343 : i32
    %get3A_345 = arith.index_cast %add3A_344 : i32 to index
    %get3A_346 = memref.load %arg1[%get3A_345] : memref<1536xi32, #tpu.memory_space<smem>>
    %mul3A_347 = arith.constant 64 : i32
    %mul3A_348 = arith.muli %arg0, %mul3A_347 : i32
    %add3A_349 = arith.constant 19 : i32
    %add3A_350 = arith.addi %mul3A_348, %add3A_349 : i32
    %get3A_351 = arith.index_cast %add3A_350 : i32 to index
    %get3A_352 = memref.load %arg2[%get3A_351] : memref<1536xf32, #tpu.memory_space<smem>>
    %neg3A_353 = arith.constant 0 : i32
    %neg3A_354 = arith.subi %neg3A_353, %get3A_346 : i32
    %roll3A_355 = tpu.dynamic_rotate %get3A_1 by %neg3A_354 dim 1 : vector<1x2048xf32>, i32 -> vector<1x2048xf32>
    %mul3A_356 = vector.broadcast %get3A_352 : f32 to vector<1x2048xf32>
    %mul3A_357 = arith.mulf %roll3A_355, %mul3A_356 : vector<1x2048xf32>
    %add3A_358 = arith.addf %add3A_340, %mul3A_357 : vector<1x2048xf32>
    %mul3A_359 = arith.constant 64 : i32
    %mul3A_360 = arith.muli %arg0, %mul3A_359 : i32
    %add3A_361 = arith.constant 20 : i32
    %add3A_362 = arith.addi %mul3A_360, %add3A_361 : i32
    %get3A_363 = arith.index_cast %add3A_362 : i32 to index
    %get3A_364 = memref.load %arg1[%get3A_363] : memref<1536xi32, #tpu.memory_space<smem>>
    %mul3A_365 = arith.constant 64 : i32
    %mul3A_366 = arith.muli %arg0, %mul3A_365 : i32
    %add3A_367 = arith.constant 20 : i32
    %add3A_368 = arith.addi %mul3A_366, %add3A_367 : i32
    %get3A_369 = arith.index_cast %add3A_368 : i32 to index
    %get3A_370 = memref.load %arg2[%get3A_369] : memref<1536xf32, #tpu.memory_space<smem>>
    %neg3A_371 = arith.constant 0 : i32
    %neg3A_372 = arith.subi %neg3A_371, %get3A_364 : i32
    %roll3A_373 = tpu.dynamic_rotate %get3A_1 by %neg3A_372 dim 1 : vector<1x2048xf32>, i32 -> vector<1x2048xf32>
    %mul3A_374 = vector.broadcast %get3A_370 : f32 to vector<1x2048xf32>
    %mul3A_375 = arith.mulf %roll3A_373, %mul3A_374 : vector<1x2048xf32>
    %add3A_376 = arith.addf %add3A_358, %mul3A_375 : vector<1x2048xf32>
    %mul3A_377 = arith.constant 64 : i32
    %mul3A_378 = arith.muli %arg0, %mul3A_377 : i32
    %add3A_379 = arith.constant 21 : i32
    %add3A_380 = arith.addi %mul3A_378, %add3A_379 : i32
    %get3A_381 = arith.index_cast %add3A_380 : i32 to index
    %get3A_382 = memref.load %arg1[%get3A_381] : memref<1536xi32, #tpu.memory_space<smem>>
    %mul3A_383 = arith.constant 64 : i32
    %mul3A_384 = arith.muli %arg0, %mul3A_383 : i32
    %add3A_385 = arith.constant 21 : i32
    %add3A_386 = arith.addi %mul3A_384, %add3A_385 : i32
    %get3A_387 = arith.index_cast %add3A_386 : i32 to index
    %get3A_388 = memref.load %arg2[%get3A_387] : memref<1536xf32, #tpu.memory_space<smem>>
    %neg3A_389 = arith.constant 0 : i32
    %neg3A_390 = arith.subi %neg3A_389, %get3A_382 : i32
    %roll3A_391 = tpu.dynamic_rotate %get3A_1 by %neg3A_390 dim 1 : vector<1x2048xf32>, i32 -> vector<1x2048xf32>
    %mul3A_392 = vector.broadcast %get3A_388 : f32 to vector<1x2048xf32>
    %mul3A_393 = arith.mulf %roll3A_391, %mul3A_392 : vector<1x2048xf32>
    %add3A_394 = arith.addf %add3A_376, %mul3A_393 : vector<1x2048xf32>
    %mul3A_395 = arith.constant 64 : i32
    %mul3A_396 = arith.muli %arg0, %mul3A_395 : i32
    %add3A_397 = arith.constant 22 : i32
    %add3A_398 = arith.addi %mul3A_396, %add3A_397 : i32
    %get3A_399 = arith.index_cast %add3A_398 : i32 to index
    %get3A_400 = memref.load %arg1[%get3A_399] : memref<1536xi32, #tpu.memory_space<smem>>
    %mul3A_401 = arith.constant 64 : i32
    %mul3A_402 = arith.muli %arg0, %mul3A_401 : i32
    %add3A_403 = arith.constant 22 : i32
    %add3A_404 = arith.addi %mul3A_402, %add3A_403 : i32
    %get3A_405 = arith.index_cast %add3A_404 : i32 to index
    %get3A_406 = memref.load %arg2[%get3A_405] : memref<1536xf32, #tpu.memory_space<smem>>
    %neg3A_407 = arith.constant 0 : i32
    %neg3A_408 = arith.subi %neg3A_407, %get3A_400 : i32
    %roll3A_409 = tpu.dynamic_rotate %get3A_1 by %neg3A_408 dim 1 : vector<1x2048xf32>, i32 -> vector<1x2048xf32>
    %mul3A_410 = vector.broadcast %get3A_406 : f32 to vector<1x2048xf32>
    %mul3A_411 = arith.mulf %roll3A_409, %mul3A_410 : vector<1x2048xf32>
    %add3A_412 = arith.addf %add3A_394, %mul3A_411 : vector<1x2048xf32>
    %mul3A_413 = arith.constant 64 : i32
    %mul3A_414 = arith.muli %arg0, %mul3A_413 : i32
    %add3A_415 = arith.constant 23 : i32
    %add3A_416 = arith.addi %mul3A_414, %add3A_415 : i32
    %get3A_417 = arith.index_cast %add3A_416 : i32 to index
    %get3A_418 = memref.load %arg1[%get3A_417] : memref<1536xi32, #tpu.memory_space<smem>>
    %mul3A_419 = arith.constant 64 : i32
    %mul3A_420 = arith.muli %arg0, %mul3A_419 : i32
    %add3A_421 = arith.constant 23 : i32
    %add3A_422 = arith.addi %mul3A_420, %add3A_421 : i32
    %get3A_423 = arith.index_cast %add3A_422 : i32 to index
    %get3A_424 = memref.load %arg2[%get3A_423] : memref<1536xf32, #tpu.memory_space<smem>>
    %neg3A_425 = arith.constant 0 : i32
    %neg3A_426 = arith.subi %neg3A_425, %get3A_418 : i32
    %roll3A_427 = tpu.dynamic_rotate %get3A_1 by %neg3A_426 dim 1 : vector<1x2048xf32>, i32 -> vector<1x2048xf32>
    %mul3A_428 = vector.broadcast %get3A_424 : f32 to vector<1x2048xf32>
    %mul3A_429 = arith.mulf %roll3A_427, %mul3A_428 : vector<1x2048xf32>
    %add3A_430 = arith.addf %add3A_412, %mul3A_429 : vector<1x2048xf32>
    %mul3A_431 = arith.constant 64 : i32
    %mul3A_432 = arith.muli %arg0, %mul3A_431 : i32
    %add3A_433 = arith.constant 24 : i32
    %add3A_434 = arith.addi %mul3A_432, %add3A_433 : i32
    %get3A_435 = arith.index_cast %add3A_434 : i32 to index
    %get3A_436 = memref.load %arg1[%get3A_435] : memref<1536xi32, #tpu.memory_space<smem>>
    %mul3A_437 = arith.constant 64 : i32
    %mul3A_438 = arith.muli %arg0, %mul3A_437 : i32
    %add3A_439 = arith.constant 24 : i32
    %add3A_440 = arith.addi %mul3A_438, %add3A_439 : i32
    %get3A_441 = arith.index_cast %add3A_440 : i32 to index
    %get3A_442 = memref.load %arg2[%get3A_441] : memref<1536xf32, #tpu.memory_space<smem>>
    %neg3A_443 = arith.constant 0 : i32
    %neg3A_444 = arith.subi %neg3A_443, %get3A_436 : i32
    %roll3A_445 = tpu.dynamic_rotate %get3A_1 by %neg3A_444 dim 1 : vector<1x2048xf32>, i32 -> vector<1x2048xf32>
    %mul3A_446 = vector.broadcast %get3A_442 : f32 to vector<1x2048xf32>
    %mul3A_447 = arith.mulf %roll3A_445, %mul3A_446 : vector<1x2048xf32>
    %add3A_448 = arith.addf %add3A_430, %mul3A_447 : vector<1x2048xf32>
    %mul3A_449 = arith.constant 64 : i32
    %mul3A_450 = arith.muli %arg0, %mul3A_449 : i32
    %add3A_451 = arith.constant 25 : i32
    %add3A_452 = arith.addi %mul3A_450, %add3A_451 : i32
    %get3A_453 = arith.index_cast %add3A_452 : i32 to index
    %get3A_454 = memref.load %arg1[%get3A_453] : memref<1536xi32, #tpu.memory_space<smem>>
    %mul3A_455 = arith.constant 64 : i32
    %mul3A_456 = arith.muli %arg0, %mul3A_455 : i32
    %add3A_457 = arith.constant 25 : i32
    %add3A_458 = arith.addi %mul3A_456, %add3A_457 : i32
    %get3A_459 = arith.index_cast %add3A_458 : i32 to index
    %get3A_460 = memref.load %arg2[%get3A_459] : memref<1536xf32, #tpu.memory_space<smem>>
    %neg3A_461 = arith.constant 0 : i32
    %neg3A_462 = arith.subi %neg3A_461, %get3A_454 : i32
    %roll3A_463 = tpu.dynamic_rotate %get3A_1 by %neg3A_462 dim 1 : vector<1x2048xf32>, i32 -> vector<1x2048xf32>
    %mul3A_464 = vector.broadcast %get3A_460 : f32 to vector<1x2048xf32>
    %mul3A_465 = arith.mulf %roll3A_463, %mul3A_464 : vector<1x2048xf32>
    %add3A_466 = arith.addf %add3A_448, %mul3A_465 : vector<1x2048xf32>
    %mul3A_467 = arith.constant 64 : i32
    %mul3A_468 = arith.muli %arg0, %mul3A_467 : i32
    %add3A_469 = arith.constant 26 : i32
    %add3A_470 = arith.addi %mul3A_468, %add3A_469 : i32
    %get3A_471 = arith.index_cast %add3A_470 : i32 to index
    %get3A_472 = memref.load %arg1[%get3A_471] : memref<1536xi32, #tpu.memory_space<smem>>
    %mul3A_473 = arith.constant 64 : i32
    %mul3A_474 = arith.muli %arg0, %mul3A_473 : i32
    %add3A_475 = arith.constant 26 : i32
    %add3A_476 = arith.addi %mul3A_474, %add3A_475 : i32
    %get3A_477 = arith.index_cast %add3A_476 : i32 to index
    %get3A_478 = memref.load %arg2[%get3A_477] : memref<1536xf32, #tpu.memory_space<smem>>
    %neg3A_479 = arith.constant 0 : i32
    %neg3A_480 = arith.subi %neg3A_479, %get3A_472 : i32
    %roll3A_481 = tpu.dynamic_rotate %get3A_1 by %neg3A_480 dim 1 : vector<1x2048xf32>, i32 -> vector<1x2048xf32>
    %mul3A_482 = vector.broadcast %get3A_478 : f32 to vector<1x2048xf32>
    %mul3A_483 = arith.mulf %roll3A_481, %mul3A_482 : vector<1x2048xf32>
    %add3A_484 = arith.addf %add3A_466, %mul3A_483 : vector<1x2048xf32>
    %mul3A_485 = arith.constant 64 : i32
    %mul3A_486 = arith.muli %arg0, %mul3A_485 : i32
    %add3A_487 = arith.constant 27 : i32
    %add3A_488 = arith.addi %mul3A_486, %add3A_487 : i32
    %get3A_489 = arith.index_cast %add3A_488 : i32 to index
    %get3A_490 = memref.load %arg1[%get3A_489] : memref<1536xi32, #tpu.memory_space<smem>>
    %mul3A_491 = arith.constant 64 : i32
    %mul3A_492 = arith.muli %arg0, %mul3A_491 : i32
    %add3A_493 = arith.constant 27 : i32
    %add3A_494 = arith.addi %mul3A_492, %add3A_493 : i32
    %get3A_495 = arith.index_cast %add3A_494 : i32 to index
    %get3A_496 = memref.load %arg2[%get3A_495] : memref<1536xf32, #tpu.memory_space<smem>>
    %neg3A_497 = arith.constant 0 : i32
    %neg3A_498 = arith.subi %neg3A_497, %get3A_490 : i32
    %roll3A_499 = tpu.dynamic_rotate %get3A_1 by %neg3A_498 dim 1 : vector<1x2048xf32>, i32 -> vector<1x2048xf32>
    %mul3A_500 = vector.broadcast %get3A_496 : f32 to vector<1x2048xf32>
    %mul3A_501 = arith.mulf %roll3A_499, %mul3A_500 : vector<1x2048xf32>
    %add3A_502 = arith.addf %add3A_484, %mul3A_501 : vector<1x2048xf32>
    %mul3A_503 = arith.constant 64 : i32
    %mul3A_504 = arith.muli %arg0, %mul3A_503 : i32
    %add3A_505 = arith.constant 28 : i32
    %add3A_506 = arith.addi %mul3A_504, %add3A_505 : i32
    %get3A_507 = arith.index_cast %add3A_506 : i32 to index
    %get3A_508 = memref.load %arg1[%get3A_507] : memref<1536xi32, #tpu.memory_space<smem>>
    %mul3A_509 = arith.constant 64 : i32
    %mul3A_510 = arith.muli %arg0, %mul3A_509 : i32
    %add3A_511 = arith.constant 28 : i32
    %add3A_512 = arith.addi %mul3A_510, %add3A_511 : i32
    %get3A_513 = arith.index_cast %add3A_512 : i32 to index
    %get3A_514 = memref.load %arg2[%get3A_513] : memref<1536xf32, #tpu.memory_space<smem>>
    %neg3A_515 = arith.constant 0 : i32
    %neg3A_516 = arith.subi %neg3A_515, %get3A_508 : i32
    %roll3A_517 = tpu.dynamic_rotate %get3A_1 by %neg3A_516 dim 1 : vector<1x2048xf32>, i32 -> vector<1x2048xf32>
    %mul3A_518 = vector.broadcast %get3A_514 : f32 to vector<1x2048xf32>
    %mul3A_519 = arith.mulf %roll3A_517, %mul3A_518 : vector<1x2048xf32>
    %add3A_520 = arith.addf %add3A_502, %mul3A_519 : vector<1x2048xf32>
    %mul3A_521 = arith.constant 64 : i32
    %mul3A_522 = arith.muli %arg0, %mul3A_521 : i32
    %add3A_523 = arith.constant 29 : i32
    %add3A_524 = arith.addi %mul3A_522, %add3A_523 : i32
    %get3A_525 = arith.index_cast %add3A_524 : i32 to index
    %get3A_526 = memref.load %arg1[%get3A_525] : memref<1536xi32, #tpu.memory_space<smem>>
    %mul3A_527 = arith.constant 64 : i32
    %mul3A_528 = arith.muli %arg0, %mul3A_527 : i32
    %add3A_529 = arith.constant 29 : i32
    %add3A_530 = arith.addi %mul3A_528, %add3A_529 : i32
    %get3A_531 = arith.index_cast %add3A_530 : i32 to index
    %get3A_532 = memref.load %arg2[%get3A_531] : memref<1536xf32, #tpu.memory_space<smem>>
    %neg3A_533 = arith.constant 0 : i32
    %neg3A_534 = arith.subi %neg3A_533, %get3A_526 : i32
    %roll3A_535 = tpu.dynamic_rotate %get3A_1 by %neg3A_534 dim 1 : vector<1x2048xf32>, i32 -> vector<1x2048xf32>
    %mul3A_536 = vector.broadcast %get3A_532 : f32 to vector<1x2048xf32>
    %mul3A_537 = arith.mulf %roll3A_535, %mul3A_536 : vector<1x2048xf32>
    %add3A_538 = arith.addf %add3A_520, %mul3A_537 : vector<1x2048xf32>
    %mul3A_539 = arith.constant 64 : i32
    %mul3A_540 = arith.muli %arg0, %mul3A_539 : i32
    %add3A_541 = arith.constant 30 : i32
    %add3A_542 = arith.addi %mul3A_540, %add3A_541 : i32
    %get3A_543 = arith.index_cast %add3A_542 : i32 to index
    %get3A_544 = memref.load %arg1[%get3A_543] : memref<1536xi32, #tpu.memory_space<smem>>
    %mul3A_545 = arith.constant 64 : i32
    %mul3A_546 = arith.muli %arg0, %mul3A_545 : i32
    %add3A_547 = arith.constant 30 : i32
    %add3A_548 = arith.addi %mul3A_546, %add3A_547 : i32
    %get3A_549 = arith.index_cast %add3A_548 : i32 to index
    %get3A_550 = memref.load %arg2[%get3A_549] : memref<1536xf32, #tpu.memory_space<smem>>
    %neg3A_551 = arith.constant 0 : i32
    %neg3A_552 = arith.subi %neg3A_551, %get3A_544 : i32
    %roll3A_553 = tpu.dynamic_rotate %get3A_1 by %neg3A_552 dim 1 : vector<1x2048xf32>, i32 -> vector<1x2048xf32>
    %mul3A_554 = vector.broadcast %get3A_550 : f32 to vector<1x2048xf32>
    %mul3A_555 = arith.mulf %roll3A_553, %mul3A_554 : vector<1x2048xf32>
    %add3A_556 = arith.addf %add3A_538, %mul3A_555 : vector<1x2048xf32>
    %mul3A_557 = arith.constant 64 : i32
    %mul3A_558 = arith.muli %arg0, %mul3A_557 : i32
    %add3A_559 = arith.constant 31 : i32
    %add3A_560 = arith.addi %mul3A_558, %add3A_559 : i32
    %get3A_561 = arith.index_cast %add3A_560 : i32 to index
    %get3A_562 = memref.load %arg1[%get3A_561] : memref<1536xi32, #tpu.memory_space<smem>>
    %mul3A_563 = arith.constant 64 : i32
    %mul3A_564 = arith.muli %arg0, %mul3A_563 : i32
    %add3A_565 = arith.constant 31 : i32
    %add3A_566 = arith.addi %mul3A_564, %add3A_565 : i32
    %get3A_567 = arith.index_cast %add3A_566 : i32 to index
    %get3A_568 = memref.load %arg2[%get3A_567] : memref<1536xf32, #tpu.memory_space<smem>>
    %neg3A_569 = arith.constant 0 : i32
    %neg3A_570 = arith.subi %neg3A_569, %get3A_562 : i32
    %roll3A_571 = tpu.dynamic_rotate %get3A_1 by %neg3A_570 dim 1 : vector<1x2048xf32>, i32 -> vector<1x2048xf32>
    %mul3A_572 = vector.broadcast %get3A_568 : f32 to vector<1x2048xf32>
    %mul3A_573 = arith.mulf %roll3A_571, %mul3A_572 : vector<1x2048xf32>
    %add3A_574 = arith.addf %add3A_556, %mul3A_573 : vector<1x2048xf32>
    %mul3A_575 = arith.constant 64 : i32
    %mul3A_576 = arith.muli %arg0, %mul3A_575 : i32
    %add3A_577 = arith.constant 32 : i32
    %add3A_578 = arith.addi %mul3A_576, %add3A_577 : i32
    %get3A_579 = arith.index_cast %add3A_578 : i32 to index
    %get3A_580 = memref.load %arg1[%get3A_579] : memref<1536xi32, #tpu.memory_space<smem>>
    %mul3A_581 = arith.constant 64 : i32
    %mul3A_582 = arith.muli %arg0, %mul3A_581 : i32
    %add3A_583 = arith.constant 32 : i32
    %add3A_584 = arith.addi %mul3A_582, %add3A_583 : i32
    %get3A_585 = arith.index_cast %add3A_584 : i32 to index
    %get3A_586 = memref.load %arg2[%get3A_585] : memref<1536xf32, #tpu.memory_space<smem>>
    %neg3A_587 = arith.constant 0 : i32
    %neg3A_588 = arith.subi %neg3A_587, %get3A_580 : i32
    %roll3A_589 = tpu.dynamic_rotate %get3A_1 by %neg3A_588 dim 1 : vector<1x2048xf32>, i32 -> vector<1x2048xf32>
    %mul3A_590 = vector.broadcast %get3A_586 : f32 to vector<1x2048xf32>
    %mul3A_591 = arith.mulf %roll3A_589, %mul3A_590 : vector<1x2048xf32>
    %add3A_592 = arith.addf %add3A_574, %mul3A_591 : vector<1x2048xf32>
    %mul3A_593 = arith.constant 64 : i32
    %mul3A_594 = arith.muli %arg0, %mul3A_593 : i32
    %add3A_595 = arith.constant 33 : i32
    %add3A_596 = arith.addi %mul3A_594, %add3A_595 : i32
    %get3A_597 = arith.index_cast %add3A_596 : i32 to index
    %get3A_598 = memref.load %arg1[%get3A_597] : memref<1536xi32, #tpu.memory_space<smem>>
    %mul3A_599 = arith.constant 64 : i32
    %mul3A_600 = arith.muli %arg0, %mul3A_599 : i32
    %add3A_601 = arith.constant 33 : i32
    %add3A_602 = arith.addi %mul3A_600, %add3A_601 : i32
    %get3A_603 = arith.index_cast %add3A_602 : i32 to index
    %get3A_604 = memref.load %arg2[%get3A_603] : memref<1536xf32, #tpu.memory_space<smem>>
    %neg3A_605 = arith.constant 0 : i32
    %neg3A_606 = arith.subi %neg3A_605, %get3A_598 : i32
    %roll3A_607 = tpu.dynamic_rotate %get3A_1 by %neg3A_606 dim 1 : vector<1x2048xf32>, i32 -> vector<1x2048xf32>
    %mul3A_608 = vector.broadcast %get3A_604 : f32 to vector<1x2048xf32>
    %mul3A_609 = arith.mulf %roll3A_607, %mul3A_608 : vector<1x2048xf32>
    %add3A_610 = arith.addf %add3A_592, %mul3A_609 : vector<1x2048xf32>
    %mul3A_611 = arith.constant 64 : i32
    %mul3A_612 = arith.muli %arg0, %mul3A_611 : i32
    %add3A_613 = arith.constant 34 : i32
    %add3A_614 = arith.addi %mul3A_612, %add3A_613 : i32
    %get3A_615 = arith.index_cast %add3A_614 : i32 to index
    %get3A_616 = memref.load %arg1[%get3A_615] : memref<1536xi32, #tpu.memory_space<smem>>
    %mul3A_617 = arith.constant 64 : i32
    %mul3A_618 = arith.muli %arg0, %mul3A_617 : i32
    %add3A_619 = arith.constant 34 : i32
    %add3A_620 = arith.addi %mul3A_618, %add3A_619 : i32
    %get3A_621 = arith.index_cast %add3A_620 : i32 to index
    %get3A_622 = memref.load %arg2[%get3A_621] : memref<1536xf32, #tpu.memory_space<smem>>
    %neg3A_623 = arith.constant 0 : i32
    %neg3A_624 = arith.subi %neg3A_623, %get3A_616 : i32
    %roll3A_625 = tpu.dynamic_rotate %get3A_1 by %neg3A_624 dim 1 : vector<1x2048xf32>, i32 -> vector<1x2048xf32>
    %mul3A_626 = vector.broadcast %get3A_622 : f32 to vector<1x2048xf32>
    %mul3A_627 = arith.mulf %roll3A_625, %mul3A_626 : vector<1x2048xf32>
    %add3A_628 = arith.addf %add3A_610, %mul3A_627 : vector<1x2048xf32>
    %mul3A_629 = arith.constant 64 : i32
    %mul3A_630 = arith.muli %arg0, %mul3A_629 : i32
    %add3A_631 = arith.constant 35 : i32
    %add3A_632 = arith.addi %mul3A_630, %add3A_631 : i32
    %get3A_633 = arith.index_cast %add3A_632 : i32 to index
    %get3A_634 = memref.load %arg1[%get3A_633] : memref<1536xi32, #tpu.memory_space<smem>>
    %mul3A_635 = arith.constant 64 : i32
    %mul3A_636 = arith.muli %arg0, %mul3A_635 : i32
    %add3A_637 = arith.constant 35 : i32
    %add3A_638 = arith.addi %mul3A_636, %add3A_637 : i32
    %get3A_639 = arith.index_cast %add3A_638 : i32 to index
    %get3A_640 = memref.load %arg2[%get3A_639] : memref<1536xf32, #tpu.memory_space<smem>>
    %neg3A_641 = arith.constant 0 : i32
    %neg3A_642 = arith.subi %neg3A_641, %get3A_634 : i32
    %roll3A_643 = tpu.dynamic_rotate %get3A_1 by %neg3A_642 dim 1 : vector<1x2048xf32>, i32 -> vector<1x2048xf32>
    %mul3A_644 = vector.broadcast %get3A_640 : f32 to vector<1x2048xf32>
    %mul3A_645 = arith.mulf %roll3A_643, %mul3A_644 : vector<1x2048xf32>
    %add3A_646 = arith.addf %add3A_628, %mul3A_645 : vector<1x2048xf32>
    %mul3A_647 = arith.constant 64 : i32
    %mul3A_648 = arith.muli %arg0, %mul3A_647 : i32
    %add3A_649 = arith.constant 36 : i32
    %add3A_650 = arith.addi %mul3A_648, %add3A_649 : i32
    %get3A_651 = arith.index_cast %add3A_650 : i32 to index
    %get3A_652 = memref.load %arg1[%get3A_651] : memref<1536xi32, #tpu.memory_space<smem>>
    %mul3A_653 = arith.constant 64 : i32
    %mul3A_654 = arith.muli %arg0, %mul3A_653 : i32
    %add3A_655 = arith.constant 36 : i32
    %add3A_656 = arith.addi %mul3A_654, %add3A_655 : i32
    %get3A_657 = arith.index_cast %add3A_656 : i32 to index
    %get3A_658 = memref.load %arg2[%get3A_657] : memref<1536xf32, #tpu.memory_space<smem>>
    %neg3A_659 = arith.constant 0 : i32
    %neg3A_660 = arith.subi %neg3A_659, %get3A_652 : i32
    %roll3A_661 = tpu.dynamic_rotate %get3A_1 by %neg3A_660 dim 1 : vector<1x2048xf32>, i32 -> vector<1x2048xf32>
    %mul3A_662 = vector.broadcast %get3A_658 : f32 to vector<1x2048xf32>
    %mul3A_663 = arith.mulf %roll3A_661, %mul3A_662 : vector<1x2048xf32>
    %add3A_664 = arith.addf %add3A_646, %mul3A_663 : vector<1x2048xf32>
    %mul3A_665 = arith.constant 64 : i32
    %mul3A_666 = arith.muli %arg0, %mul3A_665 : i32
    %add3A_667 = arith.constant 37 : i32
    %add3A_668 = arith.addi %mul3A_666, %add3A_667 : i32
    %get3A_669 = arith.index_cast %add3A_668 : i32 to index
    %get3A_670 = memref.load %arg1[%get3A_669] : memref<1536xi32, #tpu.memory_space<smem>>
    %mul3A_671 = arith.constant 64 : i32
    %mul3A_672 = arith.muli %arg0, %mul3A_671 : i32
    %add3A_673 = arith.constant 37 : i32
    %add3A_674 = arith.addi %mul3A_672, %add3A_673 : i32
    %get3A_675 = arith.index_cast %add3A_674 : i32 to index
    %get3A_676 = memref.load %arg2[%get3A_675] : memref<1536xf32, #tpu.memory_space<smem>>
    %neg3A_677 = arith.constant 0 : i32
    %neg3A_678 = arith.subi %neg3A_677, %get3A_670 : i32
    %roll3A_679 = tpu.dynamic_rotate %get3A_1 by %neg3A_678 dim 1 : vector<1x2048xf32>, i32 -> vector<1x2048xf32>
    %mul3A_680 = vector.broadcast %get3A_676 : f32 to vector<1x2048xf32>
    %mul3A_681 = arith.mulf %roll3A_679, %mul3A_680 : vector<1x2048xf32>
    %add3A_682 = arith.addf %add3A_664, %mul3A_681 : vector<1x2048xf32>
    %mul3A_683 = arith.constant 64 : i32
    %mul3A_684 = arith.muli %arg0, %mul3A_683 : i32
    %add3A_685 = arith.constant 38 : i32
    %add3A_686 = arith.addi %mul3A_684, %add3A_685 : i32
    %get3A_687 = arith.index_cast %add3A_686 : i32 to index
    %get3A_688 = memref.load %arg1[%get3A_687] : memref<1536xi32, #tpu.memory_space<smem>>
    %mul3A_689 = arith.constant 64 : i32
    %mul3A_690 = arith.muli %arg0, %mul3A_689 : i32
    %add3A_691 = arith.constant 38 : i32
    %add3A_692 = arith.addi %mul3A_690, %add3A_691 : i32
    %get3A_693 = arith.index_cast %add3A_692 : i32 to index
    %get3A_694 = memref.load %arg2[%get3A_693] : memref<1536xf32, #tpu.memory_space<smem>>
    %neg3A_695 = arith.constant 0 : i32
    %neg3A_696 = arith.subi %neg3A_695, %get3A_688 : i32
    %roll3A_697 = tpu.dynamic_rotate %get3A_1 by %neg3A_696 dim 1 : vector<1x2048xf32>, i32 -> vector<1x2048xf32>
    %mul3A_698 = vector.broadcast %get3A_694 : f32 to vector<1x2048xf32>
    %mul3A_699 = arith.mulf %roll3A_697, %mul3A_698 : vector<1x2048xf32>
    %add3A_700 = arith.addf %add3A_682, %mul3A_699 : vector<1x2048xf32>
    %mul3A_701 = arith.constant 64 : i32
    %mul3A_702 = arith.muli %arg0, %mul3A_701 : i32
    %add3A_703 = arith.constant 39 : i32
    %add3A_704 = arith.addi %mul3A_702, %add3A_703 : i32
    %get3A_705 = arith.index_cast %add3A_704 : i32 to index
    %get3A_706 = memref.load %arg1[%get3A_705] : memref<1536xi32, #tpu.memory_space<smem>>
    %mul3A_707 = arith.constant 64 : i32
    %mul3A_708 = arith.muli %arg0, %mul3A_707 : i32
    %add3A_709 = arith.constant 39 : i32
    %add3A_710 = arith.addi %mul3A_708, %add3A_709 : i32
    %get3A_711 = arith.index_cast %add3A_710 : i32 to index
    %get3A_712 = memref.load %arg2[%get3A_711] : memref<1536xf32, #tpu.memory_space<smem>>
    %neg3A_713 = arith.constant 0 : i32
    %neg3A_714 = arith.subi %neg3A_713, %get3A_706 : i32
    %roll3A_715 = tpu.dynamic_rotate %get3A_1 by %neg3A_714 dim 1 : vector<1x2048xf32>, i32 -> vector<1x2048xf32>
    %mul3A_716 = vector.broadcast %get3A_712 : f32 to vector<1x2048xf32>
    %mul3A_717 = arith.mulf %roll3A_715, %mul3A_716 : vector<1x2048xf32>
    %add3A_718 = arith.addf %add3A_700, %mul3A_717 : vector<1x2048xf32>
    %swap3A = arith.constant 0 : index
    %swap3A_719 = arith.constant 0 : index
    %swap3A_720 = arith.constant 0 : index
    %swap3A_721 = vector.load %arg4[%swap3A, %swap3A_719, %swap3A_720] : memref<1x1x2048xf32, #tpu.memory_space<vmem>>, vector<1x1x2048xf32>
    %swap3A_722 = vector.shape_cast %swap3A_721 : vector<1x1x2048xf32> to vector<1x2048xf32>
    %swap3A_723 = vector.shape_cast %add3A_718 : vector<1x2048xf32> to vector<1x1x2048xf32>
    tpu.vector_store %arg4[%swap3A, %swap3A_719, %swap3A_720], %swap3A_723 {strides = array<i32>} : memref<1x1x2048xf32, #tpu.memory_space<vmem>>, vector<1x1x2048xf32>,
    return
  }
  func.func @transform_0(%arg0: i32, %arg1: memref<1536xi32, #tpu.memory_space<smem>>, %arg2: memref<1536xf32, #tpu.memory_space<smem>>) -> (i32, i32) {
    %c0_i32 = arith.constant 0 : i32
    %c0_i32_0 = arith.constant 0 : i32
    %c0_i32_1 = arith.constant 0 : i32
    return %c0_i32, %c0_i32_0 : i32, i32
  }
  func.func @transform_1(%arg0: i32, %arg1: memref<1536xi32, #tpu.memory_space<smem>>, %arg2: memref<1536xf32, #tpu.memory_space<smem>>) -> (i32, i32, i32) {
    %c0_i32 = arith.constant 0 : i32
    %c0_i32_0 = arith.constant 0 : i32
    %c0_i32_1 = arith.constant 0 : i32
    return %arg0, %c0_i32, %c0_i32_0 : i32, i32, i32
  }
}

</mosaic_0001>

<sc_bundles>
// kernel: kernel.6.cloned.1.call-start
scs
__scs_entry_jumppad:
0x0: {  	(pc) =	sbr.rel $0x88, $3  }
0x1: {  	(tag) =	ssettag $0x0;
	lr =	simm.s32 $0x1  }
0x2: {  	[smem:$0x3F98] =	sst lr;
	_ =	strace $0xD0000000  }
0x3: {  	_ = 	snop  }
0x4: {  	_ = 	snop  }
0x5: {  	_ = 	snop  }
0x6: {  	_ = 	snop  }
0x7: {  	_ = 	snop  }
__scs_overlays_trampoline_lowered:
0x8: {  	[smem:$0x3FA7] =	sst s0  }
0x9: {  	[smem:$0x3FA8] =	sst s1  }
0xa: {  	[smem:$0x3FA9] =	sst s2  }
0xb: {  	[smem:$0x3FAA] =	sst s3  }
0xc: {  	[smem:$0x3FAB] =	sst s4  }
0xd: {  	[smem:$0x3FAC] =	sst s5  }
0xe: {  	[smem:$0x3FAD] =	sst s6  }
0xf: {  	[smem:$0x3FAE] =	sst s7  }
0x10: {  	[smem:$0x3FAF] =	sst s8  }
0x11: {  	[smem:$0x3FB0] =	sst s9;
	s0 =	simm.s32 @!p0 $0x0  }
0x12: {  	s1 =	sld [smem:$0x3F96];
	s0 =	simm.s32 @p0 $0x1  }
0x13: {  	[smem:$0x3FB1] =	sst s0;
	s0 =	simm.s32 @!p1 $0x0  }
0x14: {  	s2 =	sld [smem:$0x3F95];
	s0 =	simm.s32 @p1 $0x1  }
0x15: {  	[smem:$0x3FB2] =	sst s0;
	s0 =	simm.s32 @!p2 $0x0  }
0x16: {  	s3 =	sld [smem:$0x3FDB];
	s0 =	simm.s32 @p2 $0x1  }
0x17: {  	s4 =	simm.s32 $0x1BF5;
	[smem:$0x3FB4] =	sst s0  }
0x18: {  	s0 =	sld [smem:$0x3F97];
	_ =	swait.ge [sflag:s4], $0x0  }
0x19: {  	s7 =	sld [smem:$0x3F98]  }
0x1a: {  	s8 =	sadd.s32 $0xFFFFE003, lr  }
0x1b: {  	s9 =	sadd.s32 $0xFFFFFEF7, lr;
	s5 =	simm.s32 $0xFFFFFFFF;
	p2 =	slt.u32 s8, $0xFFFFF086  }
0x1c: {  	p1 =	slt.u32 s9, $0xF7A;
	s5 =	simm.s32 @!p2 $0x0  }
0x1d: {  	s5 =	simm.s32 @p1 $0x1;
	p0 =	seq.s32 s7, s2  }
0x1e: {  	s7 =	smul.u32 @!p0 $0xF7A, s2;
	p2 =	seq.s32 @!p0 s5, $0x0  }
0x1f: {  	s9 =	smul.u32 $0xF7A, s1;
	s8 =	simm.s32 @!p0 $0x1BF5;
	p2 =	por !p2, p0  }
0x20: {  	[sflag:s8] =	ssyncset.s32 @!p0 $0xFFFFF086;
	s6 =	sadd.s32 @!p0 s3, s7;
	s7 =	simm.s32 @!p0 $0x108  }
0x21: {  	s3 =	sadd.s32 s3, s9;
	s6 =	sadd.s32 @!p0 $0x88, s6;
	s7 =	simm.s32 @p2 $0x1082  }
0x22: {  	[simem:s7], [sflag:s8] =	dma.local @!p0 [hbm:s6], $0xF7A  }
0x23: {  	s9 =	sor.u32 $0xD0000000, s2;
	s6 =	simm.s32 $0x108;
	_ =	swait.ge @!p0 [sflag:s8], $0x0  }
0x24: {  	s3 =	sadd.s32 $0x88, s3;
	s6 =	simm.s32 @!p1 $0x1082;
	[sflag:s4] =	ssyncset.s32 $0xFFFFF086  }
0x25: {  	[simem:s6], [sflag:s4] =	dma.local [hbm:s3], $0xF7A  }
0x26: {  	[smem:$0x3F98] =	sst s1;
	(tag) =	ssettag s2;
	_ =	strace s9  }
0x27: {  	s1 =	sld [smem:$0x3FA8]  }
0x28: {  	s2 =	sld [smem:$0x3FA9]  }
0x29: {  	s4 =	sld [smem:$0x3FAB]  }
0x2a: {  	p0 =	seq.s32 s5, $0x0;
	s5 =	sld [smem:$0x3FAC]  }
0x2b: {  	s6 =	sld [smem:$0x3FAD]  }
0x2c: {  	s7 =	sld [smem:$0x3FAE]  }
0x2d: {  	s3 =	simm.s32 $0x108;
	s8 =	sld [smem:$0x3FAF]  }
0x2e: {  	s3 =	simm.s32 @!p0 $0x1082;
	s9 =	sld [smem:$0x3FB0]  }
0x2f: {  	lr =	sadd.s32 s0, s3;
	s0 =	sld [smem:$0x3FA7]  }
0x30: {  	s3 =	sld [smem:$0x3FAA]  }
0x31: {  	[smem:$0x3FB3] =	sst s10  }
0x32: {  	s10 =	sld [smem:$0x3FB1];
	_ =	sdelay $0x3  }
0x33: {  	p0 =	seq.s32 s10, $0x1;
	s10 =	sld [smem:$0x3FB3];
	_ =	sdelay $0x3  }
0x34: {  	[smem:$0x3FB3] =	sst s10  }
0x35: {  	s10 =	sld [smem:$0x3FB2];
	_ =	sdelay $0x3  }
0x36: {  	p1 =	seq.s32 s10, $0x1;
	s10 =	sld [smem:$0x3FB3];
	_ =	sdelay $0x3  }
0x37: {  	[smem:$0x3FB3] =	sst s10  }
0x38: {  	s10 =	sld [smem:$0x3FB4]  }
0x39: {  	_ = 	snop;
	(pc) =	sbr.ind lr, $3  }
0x3a: {  	_ = 	snop  }
0x3b: {  	_ = 	snop  }
0x3c: {  	p2 =	seq.s32 s10, $0x1;
	s10 =	sld [smem:$0x3FB3]  }
0x3d: {  	_ =	shalt  }
0x3e: {  	_ =	shalt  }
0x3f: {  	_ =	shalt  }
0x40: {  	_ =	shalt  }
0x41: {  	_ =	shalt  }
0x42: {  	_ =	shalt  }
0x43: {  	_ =	shalt  }
0x44: {  	_ =	shalt  }
0x45: {  	_ =	shalt  }
0x46: {  	_ =	shalt  }
0x47: {  	_ =	shalt  }
0x48: {  	_ =	shalt  }
0x49: {  	_ =	shalt  }
0x4a: {  	_ =	shalt  }
0x4b: {  	_ =	shalt  }
0x4c: {  	_ =	shalt  }
0x4d: {  	_ =	shalt  }
0x4e: {  	_ =	shalt  }
0x4f: {  	_ =	shalt  }
0x50: {  	_ =	shalt  }
0x51: {  	_ =	shalt  }
0x52: {  	_ =	shalt  }
0x53: {  	_ =	shalt  }
0x54: {  	_ =	shalt  }
0x55: {  	_ =	shalt  }
0x56: {  	_ =	shalt  }
0x57: {  	_ =	shalt  }
0x58: {  	_ =	shalt  }
0x59: {  	_ =	shalt  }
0x5a: {  	_ =	shalt  }
0x5b: {  	_ =	shalt  }
0x5c: {  	_ =	shalt  }
0x5d: {  	_ =	shalt  }
0x5e: {  	_ =	shalt  }
0x5f: {  	_ =	shalt  }
0x60: {  	_ =	shalt  }
0x61: {  	_ =	shalt  }
0x62: {  	_ =	shalt  }
0x63: {  	_ =	shalt  }
0x64: {  	_ =	shalt  }
0x65: {  	_ =	shalt  }
0x66: {  	_ =	shalt  }
0x67: {  	_ =	shalt  }
0x68: {  	_ =	shalt  }
0x69: {  	_ =	shalt  }
0x6a: {  	_ =	shalt  }
0x6b: {  	_ =	shalt  }
0x6c: {  	_ =	shalt  }
0x6d: {  	_ =	shalt  }
0x6e: {  	_ =	shalt  }
0x6f: {  	_ =	shalt  }
0x70: {  	_ =	shalt  }
0x71: {  	_ =	shalt  }
0x72: {  	_ =	shalt  }
0x73: {  	_ =	shalt  }
0x74: {  	_ =	shalt  }
0x75: {  	_ =	shalt  }
0x76: {  	_ =	shalt  }
0x77: {  	_ =	shalt  }
0x78: {  	_ =	shalt  }
0x79: {  	_ =	shalt  }
0x7a: {  	_ =	shalt  }
0x7b: {  	_ =	shalt  }
0x7c: {  	_ =	shalt  }
0x7d: {  	_ =	shalt  }
0x7e: {  	_ =	shalt  }
0x7f: {  	_ =	shalt  }
0x80: {  	_ =	shalt  }
0x81: {  	_ =	shalt  }
0x82: {  	_ =	shalt  }
0x83: {  	_ =	shalt  }
0x84: {  	_ =	shalt  }
0x85: {  	_ =	shalt  }
0x86: {  	_ =	shalt  }
0x87: {  	_ =	shalt  }
.Lfunc_end0:
.L_simem_size_0:
called_computation_lowered:
.L_overlay_start_0:
0x88: {  	s2 =	sld [smem:$0x3FD9]  }
0x89: {  	s3 =	sld [smem:$0x3FFE];
	_ =	sdelay $0x1  }
0x8a: {  	s1 =	srdreg.scid  }
0x8b: {  	s0 =	sand.u32 $0x1, s1  }
0x8c: {  	s17 =	sshll.u32 s0, $0xA;
	s2 =	sadd.s32 s3, s2  }
0x8d: {  	s2 =	sadd.s32 s2, s17  }
0x8e: {  	[smem:$0x3FBF] =	sst s2  }
0x8f: {  	_ = 	snop  }
0x90: {  	s2 =	sld [smem:$0x3FD0];
	(tm) =	ssettm $0x1  }
0x91: {  	s18 =	sld [smem:$0x3FFB];
	_ =	sdelay $0x3  }
0x92: {  	_ =	strace s18  }
0x93: {  	s3 =	sld [smem:$0x3FFC];
	_ =	sdelay $0x3  }
0x94: {  	_ =	strace s3  }
0x95: {  	s3 =	sld [smem:$0x3FFD];
	_ =	sdelay $0x3  }
0x96: {  	_ =	strace s3  }
0x97: {  	_ =	strace $0x8FFFFFFF  }
0x98: {  	s19 =	sld [smem:$0x3FDB];
	_ =	sdelay $0x1  }
0x99: {  	s4 =	simm.s32 $_scs_section_size  }
0x9a: {  	s5 =	simm.s32 $_size__tile_overlayer_lowered;
	s6 =	simm.s32 $_tile_overlayer_lowered  }
0x9b: {  	s22 =	simm.s32 $0x1BFF;
	s21 =	sshll.u32 s6, $0x1;
	s3 =	sadd.s32 s4, s19  }
0x9c: {  	s7 =	simm.s32 $0x0;
	s20 =	sshll.u32 s5, $0x1;
	s5 =	sadd.s32 s21, s3  }
0x9d: {  	[timem:s7], [sflag:s22] =	dma.local [hbm:s5], s20  }
0x9e: {  	_ =	swait.ge [sflag:s22], s20  }
0x9f: {  	s4 =	ssub.s32 $0x0, s20;
	[sflag:s22] =	ssyncset.done $0x0  }
0xa0: {  	[sflag:s22] =	ssyncadd.s32 s4;
	_ =	sdelay $0x1  }
0xa1: {  	s23 =	simm.s32 $0x1B8B  }
0xa2: {  	_ =	swait.ge [sflag:s23], $0x1  }
0xa3: {  	[sflag:s23] =	ssyncset.done $0x0  }
0xa4: {  	s25 =	simm.s32 $0x1B8E;
	s24 =	sld [smem:$0x3FFE];
	[sflag:s23] =	ssyncadd.s32 $0xFFFFFFFF  }
0xa5: {  	s26 =	simm.s32 $execute0_lowered;
	[smem:$0x3FD2] =	sst s25  }
0xa6: {  	s5 =	sshll.u32 s26, $0x1;
	_ =	strace $0x80000046;
	[dreg:$0x1] =	wrdreg $0xFFFFFFFF  }
0xa7: {  	s28 =	simm.s32 $_size_execute0_lowered;
	s3 =	sadd.s32 s3, s5;
	[dreg:$0x0] =	wrdreg $0x0  }
0xa8: {  	s5 =	sshll.u32 s28, $0x1;
	[dreg:$0x2] =	wrdreg s3  }
0xa9: {  	[dreg:$0x3] =	wrdreg s5  }
0xaa: {  	[dreg:$0x4] =	wrdreg $0xC0  }
0xab: {  	_ =	task [dreg:s7], $0x5FFFF  }
0xac: {  	[dreg:$0x1] =	wrdreg $0xFFFFFFFF  }
0xad: {  	[dreg:$0x0] =	wrdreg $0x60  }
0xae: {  	[dreg:$0x2] =	wrdreg s2  }
0xaf: {  	[dreg:$0x3] =	wrdreg s24  }
0xb0: {  	[dreg:$0x4] =	wrdreg $0x9  }
0xb1: {  	_ =	task.clear_ibuf [dreg:s7], $0x5FFFF;
	_ =	strace $0x90000046  }
0xb2: {  	s29 =	simm.s32 $0x9;
	_ =	strace $0x80000048  }
0xb3: {  	_ =	swait.ge [sflag:s29], $0x1  }
0xb4: {  	[sflag:s29] =	ssyncadd.s32 $0xFFFFFFFF  }
0xb5: {  	_ =	strace $0x90000048  }
0xb6: {  	_ =	sfence  }
0xb7: {  	s30 =	sld [smem:$0x0];
	_ =	sdelay $0x2  }
0xb8: {  	s31 =	sshll.u32 s1, $0xD;
	s1 =	sshrl.u32 s1, $0x2  }
0xb9: {  	s3 =	sand.u32 $0x4000, s31;
	s1 =	sadd.s32 s1, s30  }
0xba: {  	s0 =	sor.u32 s3, s0;
	s1 =	sshll.u32 s1, $0x11  }
0xbb: {  	s0 =	sor.u32 s1, s0  }
0xbc: {  	s0 =	sadd.s32 $0x8F2B, s0  }
0xbd: {  	[sflag:s0] =	ssyncadd.remote.s32 $0x1  }
0xbe: {  	_ =	sfence.sel $0xFFFF  }
0xbf: {  	[dreg:$0x0] =	wrdreg $0xFFFFFFFF;
	(pc) =	sbr.abs _section_cstart, $3  }
0xc0: {  	[dreg:$0x1] =	wrdreg $0xFFFFFFFF  }
0xc1: {  	_ =	task.clear_ibuf [dreg:s7], $0x2FFFF;
	_ =	strace $0x9FFFFFFF  }
0xc2: {  	(tm) =	ssettm $0x7FFFFFFF  }
0xc3: {  	_ =	shalt  }
tec
execute0_lowered:
.L_overlay_start_1:
0x0: {  	(tag) =	ssettag $0x1  }
0x1: {  	s1 =	stileid.u32  }
0x2: {  	p0 =	sgt.u32 s1, $0x3  }
.Ltmp0:
0x3: {  	_ = 	snop;
	(pc) =	sbr.rel @p0 .LBB2_9-.Ltmp0, $4  }
0x4: {  	s4 =	rddreg [dreg:$0x0]  }
0x5: {  	s3 =	rddreg [dreg:$0x1];
	s2 =	simm.s32 $0x0  }
0x6: {  	[smem:$0x7FF] =	sst s2  }
0x7: {  	s0 =	rddreg [dreg:$0x2];
	_ =	strace $0x80000047  }
0x8: {  	s5 =	srdreg.scid;
	s6 =	sshll.u32 s1, $0x5  }
0x9: {  	s29 =	sadd.s32 $0x2600, s3;
	s9 =	sadd.s32 $0x2400, s3;
	s10 =	simm.s32 $0x800  }
0xa: {  	s11 =	simm.s32 $0x1800;
	s12 =	simm.s32 $0x1880;
	s5 =	sand.u32 $0x1, s5  }
0xb: {  	s13 =	simm.s32 $0x1;
	s14 =	simm.s32 $0x1000;
	s7 =	sshll.u32 s5, $0x4  }
0xc: {  	s15 =	simm.s32 $0x0;
	s5 =	ssub.s32 $0x2, s5;
	s6 =	sor.u32 s7, s6  }
0xd: {  	s30 =	sshrl.u32 s5, $0x1;
	s8 =	sadd.s32 s6, s3;
	s31 =	sor.u32 $0x100, s6  }
0xe: {  	s6 =	sadd.s32 s6, s4;
	s3 =	sadd.s32 $0x2800, s8;
	s8 =	ssub.s32 s5, s30  }
0xf: {  	s4 =	sadd.s32 s9, s31;
	s5 =	sadd.s32 s29, s31;
	s6 =	sadd.s32 $0x1000, s6  }
0x10: {  	v0 =	vlaneseq.u32;
	v1 =	vimm.f32 $0.0e+00;
	s9 =	simm.s32 $0x400;
	s7 =	smax.u32 s8, $0x1;
	s8 =	simm.s32 $0x80  }
.LBB2_2:
0x11: {  	s16 =	simm.s32 $0x0  }
0x12: {  	[tilespmem:s16], [sflag:$0x1] =	stream.strided.gather [hbm4b:s6+s8], $0x800, s9, s8, $0x38;
	[tilespmem:$0x1900] =	vst v63  }
0x13: {  	_ = 	snop  }
0x14: {  	[tilespmem:s10], [sflag:$0x1] =	stream.strided.gather [hbm4b:s6+s8], $0x800, s9, s8, $0x38;
	[tilespmem:$0x1900] =	vst v63  }
0x15: {  	_ = 	snop  }
0x16: {  	[tilespmem:s11], [sflag:$0x1] =	stream.linear.gather [hbm4b:s5+s16], $0x80, $0x38;
	[tilespmem:$0x1900] =	vst v63  }
0x17: {  	_ = 	snop  }
0x18: {  	[tilespmem:s12], [sflag:$0x1] =	stream.linear.gather [hbm4b:s4+s16], $0x80, $0x38;
	[tilespmem:$0x1900] =	vst v63  }
0x19: {  	_ =	swait.ge [sflag:s13], $0x800  }
0x1a: {  	[sflag:s13] =	ssyncset.done $0x0  }
0x1b: {  	[sflag:s13] =	ssyncadd.s32 $0xFFFFF800  }
0x1c: {  	_ =	swait.ge [sflag:s13], $0x800  }
0x1d: {  	[sflag:s13] =	ssyncset.done $0x0  }
0x1e: {  	[sflag:s13] =	ssyncadd.s32 $0xFFFFF800  }
0x1f: {  	_ =	swait.ge [sflag:s13], $0x80  }
0x20: {  	[sflag:s13] =	ssyncset.done $0x0  }
0x21: {  	[sflag:s13] =	ssyncadd.s32 $0xFFFFFF80  }
0x22: {  	_ =	swait.ge [sflag:s13], $0x80  }
0x23: {  	[sflag:s13] =	ssyncset.done $0x0  }
0x24: {  	s17 =	simm.s32 $0x10;
	v2 =	vor.u32 s16, v0;
	[sflag:s13] =	ssyncadd.s32 $0xFFFFFF80  }
.LBB2_3:
0x25: {  	p0 =	sne.s32 s17, $0x7F0  }
.Ltmp1:
0x26: {  	_ = 	snop;
	(pc) =	sbr.rel @p0 .LBB2_3-.Ltmp1, $3  }
0x27: {  	_ =	sdelay $0x1  }
0x28: {  	[tilespmem:v2+s14+$0x0] =	vst.idx.msk $0xffff, v1;
	s18 =	smov.u32 s17;
	s17 =	sadd.s32 $0x10, s17  }
0x29: {  	v2 =	vor.u32 s18, v0  }
0x2a: {  	_ =	sdelay $0x3  }
0x2b: {  	[tilespmem:v2+s14+$0x0] =	vst.idx.msk $0xffff, v1  }
.LBB2_5:
0x2c: {  	v3 =	vmov s16;
	_ =	sdelay $0x4  }
0x2d: {  	v2 =	vld.idx.msk [tilespmem:v3+s11+$0x0], $0xffff;
	_ =	sdelay $0x2  }
0x2e: {  	s17 =	simm.s32 $0x0  }
0x2f: {  	v4 =	vor.u32 s17, v0  }
0x30: {  	v5 =	vadd.s32 v2, v4;
	_ =	sdelay $0x3  }
0x31: {  	v3 =	vld.idx.msk [tilespmem:v3+s12+$0x0], $0xffff  }
0x32: {  	v6 =	vld.idx.msk [tilespmem:v5+s2+$0x0], $0xffff  }
0x33: {  	s31 =	simm.s32 $0x10  }
0x34: {  	s17 =	simm.s32 $0x20;
	v5 =	vor.u32 s31, v0  }
.LBB2_6:
0x35: {  	p0 =	sne.s32 s17, $0x7F0;
	v7 =	vadd.s32 v2, v5;
	_ =	sdelay $0x1  }
0x36: {  	v6 =	vmul.f32 v6, v3;
	_ =	sdelay $0x1  }
.Ltmp2:
0x37: {  	[tilespmem:v4+s14+$0x0] =	vst.idx.add.f32.msk $0xffff, v6;
	v4 =	vmov v5;
	(pc) =	sbr.rel @p0 .LBB2_6-.Ltmp2, $2  }
0x38: {  	v6 =	vld.idx.msk [tilespmem:v7+s2+$0x0], $0xffff;
	_ =	sdelay $0x2  }
0x39: {  	v5 =	vor.u32 s17, v0;
	s17 =	sadd.s32 $0x10, s17  }
0x3a: {  	v2 =	vadd.s32 v2, v5;
	_ =	sdelay $0x1  }
0x3b: {  	v6 =	vmul.f32 v6, v3;
	_ =	sdelay $0x1  }
0x3c: {  	[tilespmem:v4+s14+$0x0] =	vst.idx.add.f32.msk $0xffff, v6  }
0x3d: {  	v2 =	vld.idx.msk [tilespmem:v2+s2+$0x0], $0xffff  }
0x3e: {  	s16 =	sadd.s32 $0x1, s16  }
0x3f: {  	p0 =	sne.s32 s16, $0x28  }
.Ltmp3:
0x40: {  	_ = 	snop;
	(pc) =	sbr.rel @p0 .LBB2_5-.Ltmp3, $3  }
0x41: {  	_ = 	snop  }
0x42: {  	v2 =	vmul.f32 v2, v3;
	_ =	sdelay $0x1  }
0x43: {  	[tilespmem:v5+s14+$0x0] =	vst.idx.add.f32.msk $0xffff, v2  }
0x44: {  	s15 =	sadd.s32 $0x1, s15  }
0x45: {  	p0 =	sne.s32 s15, s7  }
.Ltmp4:
0x46: {  	_ = 	snop;
	(pc) =	sbr.rel @p0 .LBB2_2-.Ltmp4, $4  }
0x47: {  	[hbm4b:s3+s8] =	stream.strided.scatter [tilespmem:s14], [sflag:$0x1], $0x800, s9, s8, $0x38;
	[tilespmem:$0x1900] =	vst v63  }
0x48: {  	_ =	swait.ge [sflag:s13], $0x800  }
0x49: {  	[sflag:s13] =	ssyncset.done $0x0  }
0x4a: {  	[sflag:s13] =	ssyncadd.s32 $0xFFFFF800  }
.LBB2_9:
0x4b: {  	_ =	sfence.sel $0x180000  }
0x4c: {  	[bflag:$0x0] =	sbarrier.arrive $0xFFFF  }
0x4d: {  	p0 =	sne.s32 s1, $0x0;
	_ =	strace $0x90000047  }
0x4e: {  	s0 =	sadd.s32 @!p0 $0x100000, s0;
	[bflag:$0x2] =	sbarrier.arrive $0xFFFF  }
0x4f: {  	[sflag:s0] =	ssyncadd.tile.s32 @!p0 $0x1;
	_ =	shalt  }
.Lfunc_end2:
_tile_overlayer_lowered:
.L_overlay_start_2:
0x50: {  	(tag) =	ssettag $0x2  }
0x51: {  	s0 =	rddreg [dreg:$0x0];
	s2 =	stileid.u32  }
0x52: {  	s1 =	rddreg [dreg:$0x1];
	p0 =	sne.s32 s2, $0x0  }
0x53: {  	s3 =	rddreg [dreg:$0x2];
	[bflag:$0x3] =	sbarrier.arrive $0xFFFF;
	s2 =	simm.s32 @!p0 $0x1C02  }
0x54: {  	[timem:s3], [sflag:s2] =	dma.local @!p0 [hbm:s0], s1  }
0x55: {  	s0 =	simm.s32 @!p0 $0x2  }
0x56: {  	_ =	swait.ge @!p0 [sflag:s0], s1  }
0x57: {  	s1 =	ssub.s32 @!p0 $0x0, s1;
	[sflag:s0] =	ssyncset.done @!p0 $0x0  }
0x58: {  	[sflag:s0] =	ssyncadd.s32 @!p0 s1  }
0x59: {  	[bflag:$0x3] =	sbarrier.arrive $0xFFFF  }
0x5a: {  	_ =	shalt  }

</sc_bundles>
